<compile_context>
chip_gen: v7x
topology: tpu7x:2x2x1
jax: 0.10.2.dev20260603
libtpu: 0.0.44.dev20260713+nightly
codegen_flags: <defaults>
</compile_context>

<pallas_src>
import functools

import jax
import jax.numpy as jnp
from jax import lax
from jax.experimental import pallas as pl
from jax.experimental.pallas import tpu as pltpu
from jax.experimental.pallas import tpu_sc as plsc

N_NODES = 10000
N_EDGES = 320000
IN_CH = 128
HID = 64

NC = 2
NS = 16
NW = NC * NS
EPW = N_EDGES // NW
CHUNK = 125
NCHUNK = EPW // CHUNK
ROWS_PT = N_NODES // NS
ZROWS = 125

_mesh = plsc.VectorSubcoreMesh(core_axis_name="c", subcore_axis_name="s")
_sc_params = pltpu.CompilerParams(use_tc_tiling_on_sc=False)


DEGW = 16


@functools.partial(
    pl.kernel,
    out_type=jax.ShapeDtypeStruct((NC, N_NODES, 128), jnp.float32),
    mesh=_mesh,
    scratch_types=[
        pltpu.VMEM((NCHUNK, CHUNK), jnp.int32),
        pltpu.VMEM((CHUNK, DEGW), jnp.float32),
        pltpu.VMEM((ROWS_PT, DEGW), jnp.float32),
        pltpu.VMEM_SHARED((N_NODES, DEGW), jnp.float32),
    ],
    compiler_params=_sc_params,
)
def _deg_kernel(edges_hbm, ones_hbm, zeros_hbm, out_hbm, dstv, onesv, zbuf,
                deg_sh):
    c = lax.axis_index("c")
    s = lax.axis_index("s")
    pltpu.sync_copy(edges_hbm.at[1, c * NS + s], dstv)
    pltpu.sync_copy(ones_hbm, onesv)
    pltpu.sync_copy(zeros_hbm, zbuf)
    pltpu.sync_copy(zbuf, deg_sh.at[pl.ds(s * ROWS_PT, ROWS_PT)])
    plsc.subcore_barrier()

    def body(j, carry):
        pltpu.sync_copy(onesv, deg_sh.at[dstv.at[j]], add=True)
        return carry

    lax.fori_loop(0, NCHUNK, body, 0)
    plsc.subcore_barrier()
    pltpu.sync_copy(deg_sh.at[pl.ds(s * ROWS_PT, ROWS_PT)],
                    out_hbm.at[c, pl.ds(s * ROWS_PT, ROWS_PT), pl.ds(0, DEGW)])


@functools.partial(
    pl.kernel,
    out_type=jax.ShapeDtypeStruct((NC, N_NODES, 128), jnp.float32),
    mesh=_mesh,
    scratch_types=[
        pltpu.VMEM((NCHUNK, CHUNK), jnp.int32),
        pltpu.VMEM((NCHUNK, CHUNK), jnp.int32),
        [pltpu.VMEM((CHUNK, HID), jnp.float32) for _ in range(4)],
        pltpu.VMEM((ZROWS, HID), jnp.float32),
        pltpu.VMEM_SHARED((N_NODES, HID), jnp.float32),
        [pltpu.SemaphoreType.DMA for _ in range(4)],
        [pltpu.SemaphoreType.DMA for _ in range(4)],
    ],
    compiler_params=_sc_params,
)
def _agg_kernel(gs_hbm, edges_hbm, zrows_hbm, out_hbm,
                srcv, dstv, rows, zbuf, acc_sh, gsem, ssem):
    c = lax.axis_index("c")
    s = lax.axis_index("s")
    pltpu.sync_copy(edges_hbm.at[0, c * NS + s], srcv)
    pltpu.sync_copy(edges_hbm.at[1, c * NS + s], dstv)
    pltpu.sync_copy(zrows_hbm, zbuf)
    for t in range(ROWS_PT // ZROWS):
        pltpu.sync_copy(zbuf, acc_sh.at[pl.ds(s * ROWS_PT + t * ZROWS, ZROWS)])
    plsc.subcore_barrier()

    for b in range(4):
        pltpu.async_copy(gs_hbm.at[srcv.at[b]], rows[b], gsem[b])

    def body(i, carry):
        j = 4 * i
        for b in range(4):
            pltpu.make_async_copy(
                gs_hbm.at[srcv.at[j + b]], rows[b], gsem[b]).wait()
            pltpu.async_copy(
                rows[b], acc_sh.at[dstv.at[j + b]], ssem[b], add=True)
        for b in range(4):
            pltpu.make_async_copy(
                rows[b], acc_sh.at[dstv.at[j + b]], ssem[b]).wait()

            @pl.when(j + 4 + b < NCHUNK)
            def _():
                pltpu.async_copy(
                    gs_hbm.at[srcv.at[j + 4 + b]], rows[b], gsem[b])

        return carry

    lax.fori_loop(0, NCHUNK // 4, body, 0)
    plsc.subcore_barrier()
    pltpu.sync_copy(acc_sh.at[pl.ds(s * ROWS_PT, ROWS_PT)],
                    out_hbm.at[c, pl.ds(s * ROWS_PT, ROWS_PT), pl.ds(0, HID)])


def _tc1_body(degs_ref, x_ref, w1w_ref, gs_ref, dinv_ref):
    deg = degs_ref[0][:, :1] + degs_ref[1][:, :1] + 1.0
    dinv = lax.rsqrt(deg)
    dinv_ref[...] = dinv
    h = jnp.dot(x_ref[...], w1w_ref[...], preferred_element_type=jnp.float32)
    gs_ref[...] = h * dinv


_tc1 = pl.pallas_call(
    _tc1_body,
    out_shape=(
        jax.ShapeDtypeStruct((N_NODES, 128), jnp.float32),
        jax.ShapeDtypeStruct((N_NODES, 1), jnp.float32),
    ),
)


def _tc2_body(accw_ref, gs1_ref, dinv_ref, b1_ref, w2w_ref, out_ref):
    agg = accw_ref[0][:, :HID] + accw_ref[1][:, :HID] + gs1_ref[:, :HID]
    dinv = dinv_ref[...]
    h = jnp.maximum(agg * dinv + b1_ref[...], 0.0)
    out_ref[...] = jnp.dot(
        h, w2w_ref[...], preferred_element_type=jnp.float32) * dinv


_tc2 = pl.pallas_call(
    _tc2_body,
    out_shape=jax.ShapeDtypeStruct((N_NODES, 128), jnp.float32),
)


def _tc3_body(accw_ref, gs2_ref, dinv_ref, b2_ref, wfc_ref, bfc_ref, out_ref):
    agg = accw_ref[0][:, :HID] + accw_ref[1][:, :HID] + gs2_ref[:, :HID]
    h = jnp.maximum(agg * dinv_ref[...] + b2_ref[...], 0.0)
    out_ref[...] = jnp.dot(
        h, wfc_ref[...], preferred_element_type=jnp.float32) + bfc_ref[...]


_tc3 = pl.pallas_call(
    _tc3_body,
    out_shape=jax.ShapeDtypeStruct((N_NODES, 1), jnp.float32),
)


def kernel(x, edge_index, W1, b1, W2, b2, W_fc, b_fc):
    edges = jnp.stack([edge_index[0] * 2, edge_index[1]])
    edges = edges.reshape(2, NW, NCHUNK, CHUNK)
    zrows = jnp.zeros((ZROWS, HID), jnp.float32)
    ones_deg = jnp.ones((CHUNK, DEGW), jnp.float32)
    zeros_deg = jnp.zeros((ROWS_PT, DEGW), jnp.float32)
    zc = jnp.zeros((IN_CH, HID), jnp.float32)
    w1w = jnp.concatenate([W1, zc], axis=1)
    w2w = jnp.concatenate([W2, zc[:HID]], axis=1)

    degp = _deg_kernel(edges, ones_deg, zeros_deg)
    gs1, dinv = _tc1(degp, x, w1w)
    acc1 = _agg_kernel(gs1.reshape(2 * N_NODES, HID), edges, zrows)
    gs2 = _tc2(acc1, gs1, dinv, b1.reshape(1, HID), w2w)
    acc2 = _agg_kernel(gs2.reshape(2 * N_NODES, HID), edges, zrows)
    out = _tc3(acc2, gs2, dinv, b2.reshape(1, HID), W_fc, b_fc.reshape(1, 1))
    return out

# --- scband reference (transcript-rebuilt; emitter-appended) ---
"""Pipeline reference for scband-gcnencoder-2757369004086 (READ-ONLY COPY).

The authoritative reference and input builder live on the scoring server;
editing this copy changes nothing except your own understanding.
"""

import jax, jax.numpy as jnp
import numpy as np

N_NODES = 10000
N_EDGES = 320000
IN_CH = 128
HID = 64
OUT = 1


def _glorot(key, shape):
    fan_in, fan_out = shape[0], shape[1]
    limit = float(np.sqrt(6.0 / (fan_in + fan_out)))
    return jax.random.uniform(key, shape, jnp.float32, -limit, limit)


def setup_inputs(seed: int = 0) -> dict:
    key = jax.random.key(seed)
    ks = jax.random.split(key, 8)
    x = jax.random.normal(ks[0], (N_NODES, IN_CH), dtype=jnp.float32)
    edge_index = jax.random.randint(ks[1], (2, N_EDGES), 0, N_NODES, dtype=jnp.int64 if jax.config.jax_enable_x64 else jnp.int32).astype(jnp.int32)
    W1 = _glorot(ks[2], (IN_CH, HID))
    b1 = jnp.zeros((HID,), jnp.float32)
    W2 = _glorot(ks[3], (HID, HID))
    b2 = jnp.zeros((HID,), jnp.float32)
    W_fc = _glorot(ks[4], (HID, OUT))
    b_fc = jnp.zeros((OUT,), jnp.float32)
    return {"x": x, "edge_index": edge_index, "W1": W1, "b1": b1, "W2": W2, "b2": b2, "W_fc": W_fc, "b_fc": b_fc}


def _gcn_conv(x, src, dst, norm, W, b, num_nodes):
    # x' = D^{-1/2} (A + I) D^{-1/2} x W + b  (PyG GCNConv semantics)
    h = x @ W
    msg = h[src] * norm[:, None]
    out = jnp.zeros((num_nodes, W.shape[1]), jnp.float32).at[dst].add(msg)
    return out + b


def _build_norm(edge_index, num_nodes):
    loop = jnp.arange(num_nodes, dtype=edge_index.dtype)
    src = jnp.concatenate([edge_index[0], loop])
    dst = jnp.concatenate([edge_index[1], loop])
    deg = jnp.zeros((num_nodes,), jnp.float32).at[dst].add(1.0)
    dinv = jnp.where(deg > 0, jax.lax.rsqrt(deg), 0.0)
    norm = dinv[src] * dinv[dst]
    return src, dst, norm


def reference(x, edge_index, W1, b1, W2, b2, W_fc, b_fc):
    num_nodes = x.shape[0]
    src, dst, norm = _build_norm(edge_index, num_nodes)
    h = jax.nn.relu(_gcn_conv(x, src, dst, norm, W1, b1, num_nodes))
    h = jax.nn.relu(_gcn_conv(h, src, dst, norm, W2, b2, num_nodes))
    out = h @ W_fc + b_fc
    return out

if __name__ == "__main__":
    import jax
    _d = setup_inputs()
    print(jax.jit(kernel)(*tuple(_d.values())))

</pallas_src>

<mosaic_0001>
#map = affine_map<(d0, d1) -> (0, 0)>
#map1 = affine_map<(d0, d1) -> (0, 0, 0, 0)>
#map2 = affine_map<(d0, d1) -> (0, 0, 0)>
module attributes {stable_mosaic.version = 14 : i64} {
  func.func @_agg_kernel(%arg0: i32, %arg1: i32, %arg2: memref<20000x64xf32, #tpu.memory_space<hbm>>, %arg3: memref<2x32x80x125xi32, #tpu.memory_space<hbm>>, %arg4: memref<125x64xf32, #tpu.memory_space<hbm>>, %arg5: memref<2x10000x128xf32, #tpu.memory_space<hbm>>, %arg6: memref<80x125xi32, #tpu.memory_space<vmem>>, %arg7: memref<80x125xi32, #tpu.memory_space<vmem>>, %arg8: memref<125x64xf32, #tpu.memory_space<vmem>>, %arg9: memref<125x64xf32, #tpu.memory_space<vmem>>, %arg10: memref<125x64xf32, #tpu.memory_space<vmem>>, %arg11: memref<125x64xf32, #tpu.memory_space<vmem>>, %arg12: memref<125x64xf32, #tpu.memory_space<vmem>>, %arg13: memref<10000x64xf32, #tpu.memory_space<vmem_shared>>, %arg14: memref<!tpu.dma_semaphore, #tpu.memory_space<semaphore_mem>>, %arg15: memref<!tpu.dma_semaphore, #tpu.memory_space<semaphore_mem>>, %arg16: memref<!tpu.dma_semaphore, #tpu.memory_space<semaphore_mem>>, %arg17: memref<!tpu.dma_semaphore, #tpu.memory_space<semaphore_mem>>, %arg18: memref<!tpu.dma_semaphore, #tpu.memory_space<semaphore_mem>>, %arg19: memref<!tpu.dma_semaphore, #tpu.memory_space<semaphore_mem>>, %arg20: memref<!tpu.dma_semaphore, #tpu.memory_space<semaphore_mem>>, %arg21: memref<!tpu.dma_semaphore, #tpu.memory_space<semaphore_mem>>) attributes {dimension_semantics = [#tpu.dimension_semantics<core_parallel>, #tpu.dimension_semantics<subcore_parallel>], iteration_bounds = array<i64: 2, 16>, scalar_prefetch = 0 : i64, scratch_operands = 16 : i64, tpu.core_type = #tpu.core_type<sc_vector_subcore>, window_params = [{transform_indices = #map}, {transform_indices = #map1}, {transform_indices = #map}, {transform_indices = #map2}]} {
    %mul3A = arith.constant 16 : i32
    %mul3A_0 = arith.muli %arg0, %mul3A : i32
    %add3A = arith.addi %mul3A_0, %arg1 : i32
    %run_scoped3A = arith.constant 0 : i32
    "tpu.region"() ({
      %run_scoped3A_62 = tpu.sem_alloc : memref<!tpu.dma_semaphore, #tpu.memory_space<semaphore_mem>>
      %dma_start3A_63 = arith.constant 0 : i32
      %dma_start3A_64 = arith.constant 0 : i32
      %dma_start3A_65 = tpu.memref_slice %arg3[%run_scoped3A, %add3A, %dma_start3A_63, %dma_start3A_64] : memref<2x32x80x125xi32, #tpu.memory_space<hbm>> -> memref<1x1x80x125xi32, #tpu.memory_space<hbm>>
      %dma_start3A_66 = tpu.memref_squeeze %dma_start3A_65 : memref<1x1x80x125xi32, #tpu.memory_space<hbm>> -> memref<80x125xi32, #tpu.memory_space<hbm>>
      %dma_start3A_67 = arith.constant 0 : i32
      %dma_start3A_68 = arith.constant 0 : i32
      %dma_start3A_69 = tpu.memref_slice %arg3[%run_scoped3A, %add3A, %dma_start3A_67, %dma_start3A_68] : memref<2x32x80x125xi32, #tpu.memory_space<hbm>> -> memref<1x1x80x125xi32, #tpu.memory_space<hbm>>
      %dma_start3A_70 = tpu.memref_squeeze %dma_start3A_69 : memref<1x1x80x125xi32, #tpu.memory_space<hbm>> -> memref<80x125xi32, #tpu.memory_space<hbm>>
      tpu.enqueue_dma source(%dma_start3A_70 : memref<80x125xi32, #tpu.memory_space<hbm>>) target(%arg6 : memref<80x125xi32, #tpu.memory_space<vmem>>) target_semaphore(%run_scoped3A_62 : memref<!tpu.dma_semaphore, #tpu.memory_space<semaphore_mem>>)
      %dma_wait3A = arith.constant 0 : i32
      %dma_wait3A_71 = arith.constant 0 : i32
      %dma_wait3A_72 = tpu.memref_slice %arg3[%run_scoped3A, %add3A, %dma_wait3A, %dma_wait3A_71] : memref<2x32x80x125xi32, #tpu.memory_space<hbm>> -> memref<1x1x80x125xi32, #tpu.memory_space<hbm>>
      %dma_wait3A_73 = tpu.memref_squeeze %dma_wait3A_72 : memref<1x1x80x125xi32, #tpu.memory_space<hbm>> -> memref<80x125xi32, #tpu.memory_space<hbm>>
      %dma_wait3A_74 = arith.constant 0 : i32
      %dma_wait3A_75 = arith.constant 0 : i32
      %dma_wait3A_76 = tpu.memref_slice %arg3[%run_scoped3A, %add3A, %dma_wait3A_74, %dma_wait3A_75] : memref<2x32x80x125xi32, #tpu.memory_space<hbm>> -> memref<1x1x80x125xi32, #tpu.memory_space<hbm>>
      %dma_wait3A_77 = tpu.memref_squeeze %dma_wait3A_76 : memref<1x1x80x125xi32, #tpu.memory_space<hbm>> -> memref<80x125xi32, #tpu.memory_space<hbm>>
      tpu.wait_dma2 semaphore(%run_scoped3A_62 : memref<!tpu.dma_semaphore, #tpu.memory_space<semaphore_mem>>) src(%dma_wait3A_77 : memref<80x125xi32, #tpu.memory_space<hbm>>) dst(%arg6 : memref<80x125xi32, #tpu.memory_space<vmem>>)
      tpu.yield
    }) : () -> ()
    %mul3A_1 = arith.constant 16 : i32
    %mul3A_2 = arith.muli %arg0, %mul3A_1 : i32
    %add3A_3 = arith.addi %mul3A_2, %arg1 : i32
    %run_scoped3A_4 = arith.constant 1 : i32
    "tpu.region"() ({
      %run_scoped3A_62 = tpu.sem_alloc : memref<!tpu.dma_semaphore, #tpu.memory_space<semaphore_mem>>
      %dma_start3A_63 = arith.constant 0 : i32
      %dma_start3A_64 = arith.constant 0 : i32
      %dma_start3A_65 = tpu.memref_slice %arg3[%run_scoped3A_4, %add3A_3, %dma_start3A_63, %dma_start3A_64] : memref<2x32x80x125xi32, #tpu.memory_space<hbm>> -> memref<1x1x80x125xi32, #tpu.memory_space<hbm>>
      %dma_start3A_66 = tpu.memref_squeeze %dma_start3A_65 : memref<1x1x80x125xi32, #tpu.memory_space<hbm>> -> memref<80x125xi32, #tpu.memory_space<hbm>>
      %dma_start3A_67 = arith.constant 0 : i32
      %dma_start3A_68 = arith.constant 0 : i32
      %dma_start3A_69 = tpu.memref_slice %arg3[%run_scoped3A_4, %add3A_3, %dma_start3A_67, %dma_start3A_68] : memref<2x32x80x125xi32, #tpu.memory_space<hbm>> -> memref<1x1x80x125xi32, #tpu.memory_space<hbm>>
      %dma_start3A_70 = tpu.memref_squeeze %dma_start3A_69 : memref<1x1x80x125xi32, #tpu.memory_space<hbm>> -> memref<80x125xi32, #tpu.memory_space<hbm>>
      tpu.enqueue_dma source(%dma_start3A_70 : memref<80x125xi32, #tpu.memory_space<hbm>>) target(%arg7 : memref<80x125xi32, #tpu.memory_space<vmem>>) target_semaphore(%run_scoped3A_62 : memref<!tpu.dma_semaphore, #tpu.memory_space<semaphore_mem>>)
      %dma_wait3A = arith.constant 0 : i32
      %dma_wait3A_71 = arith.constant 0 : i32
      %dma_wait3A_72 = tpu.memref_slice %arg3[%run_scoped3A_4, %add3A_3, %dma_wait3A, %dma_wait3A_71] : memref<2x32x80x125xi32, #tpu.memory_space<hbm>> -> memref<1x1x80x125xi32, #tpu.memory_space<hbm>>
      %dma_wait3A_73 = tpu.memref_squeeze %dma_wait3A_72 : memref<1x1x80x125xi32, #tpu.memory_space<hbm>> -> memref<80x125xi32, #tpu.memory_space<hbm>>
      %dma_wait3A_74 = arith.constant 0 : i32
      %dma_wait3A_75 = arith.constant 0 : i32
      %dma_wait3A_76 = tpu.memref_slice %arg3[%run_scoped3A_4, %add3A_3, %dma_wait3A_74, %dma_wait3A_75] : memref<2x32x80x125xi32, #tpu.memory_space<hbm>> -> memref<1x1x80x125xi32, #tpu.memory_space<hbm>>
      %dma_wait3A_77 = tpu.memref_squeeze %dma_wait3A_76 : memref<1x1x80x125xi32, #tpu.memory_space<hbm>> -> memref<80x125xi32, #tpu.memory_space<hbm>>
      tpu.wait_dma2 semaphore(%run_scoped3A_62 : memref<!tpu.dma_semaphore, #tpu.memory_space<semaphore_mem>>) src(%dma_wait3A_77 : memref<80x125xi32, #tpu.memory_space<hbm>>) dst(%arg7 : memref<80x125xi32, #tpu.memory_space<vmem>>)
      tpu.yield
    }) : () -> ()
    "tpu.region"() ({
      %run_scoped3A_62 = tpu.sem_alloc : memref<!tpu.dma_semaphore, #tpu.memory_space<semaphore_mem>>
      tpu.enqueue_dma source(%arg4 : memref<125x64xf32, #tpu.memory_space<hbm>>) target(%arg12 : memref<125x64xf32, #tpu.memory_space<vmem>>) target_semaphore(%run_scoped3A_62 : memref<!tpu.dma_semaphore, #tpu.memory_space<semaphore_mem>>)
      tpu.wait_dma2 semaphore(%run_scoped3A_62 : memref<!tpu.dma_semaphore, #tpu.memory_space<semaphore_mem>>) src(%arg4 : memref<125x64xf32, #tpu.memory_space<hbm>>) dst(%arg12 : memref<125x64xf32, #tpu.memory_space<vmem>>)
      tpu.yield
    }) : () -> ()
    %mul3A_5 = arith.constant 625 : i32
    %mul3A_6 = arith.muli %arg1, %mul3A_5 : i32
    %add3A_7 = arith.constant 0 : i32
    %add3A_8 = arith.addi %mul3A_6, %add3A_7 : i32
    "tpu.region"() ({
      %run_scoped3A_62 = tpu.sem_alloc : memref<!tpu.dma_semaphore, #tpu.memory_space<semaphore_mem>>
      %dma_start3A_63 = arith.constant 0 : i32
      %dma_start3A_64 = tpu.memref_slice %arg13[%add3A_8, %dma_start3A_63] : memref<10000x64xf32, #tpu.memory_space<vmem_shared>> -> memref<125x64xf32, #tpu.memory_space<vmem_shared>>
      %dma_start3A_65 = arith.constant 0 : i32
      %dma_start3A_66 = tpu.memref_slice %arg13[%add3A_8, %dma_start3A_65] : memref<10000x64xf32, #tpu.memory_space<vmem_shared>> -> memref<125x64xf32, #tpu.memory_space<vmem_shared>>
      tpu.enqueue_dma source(%arg12 : memref<125x64xf32, #tpu.memory_space<vmem>>) target(%dma_start3A_66 : memref<125x64xf32, #tpu.memory_space<vmem_shared>>) target_semaphore(%run_scoped3A_62 : memref<!tpu.dma_semaphore, #tpu.memory_space<semaphore_mem>>)
      %dma_wait3A = arith.constant 0 : i32
      %dma_wait3A_67 = tpu.memref_slice %arg13[%add3A_8, %dma_wait3A] : memref<10000x64xf32, #tpu.memory_space<vmem_shared>> -> memref<125x64xf32, #tpu.memory_space<vmem_shared>>
      %dma_wait3A_68 = arith.constant 0 : i32
      %dma_wait3A_69 = tpu.memref_slice %arg13[%add3A_8, %dma_wait3A_68] : memref<10000x64xf32, #tpu.memory_space<vmem_shared>> -> memref<125x64xf32, #tpu.memory_space<vmem_shared>>
      tpu.wait_dma2 semaphore(%run_scoped3A_62 : memref<!tpu.dma_semaphore, #tpu.memory_space<semaphore_mem>>) src(%arg12 : memref<125x64xf32, #tpu.memory_space<vmem>>) dst(%dma_wait3A_69 : memref<125x64xf32, #tpu.memory_space<vmem_shared>>)
      tpu.yield
    }) : () -> ()
    %mul3A_9 = arith.constant 625 : i32
    %mul3A_10 = arith.muli %arg1, %mul3A_9 : i32
    %add3A_11 = arith.constant 125 : i32
    %add3A_12 = arith.addi %mul3A_10, %add3A_11 : i32
    "tpu.region"() ({
      %run_scoped3A_62 = tpu.sem_alloc : memref<!tpu.dma_semaphore, #tpu.memory_space<semaphore_mem>>
      %dma_start3A_63 = arith.constant 0 : i32
      %dma_start3A_64 = tpu.memref_slice %arg13[%add3A_12, %dma_start3A_63] : memref<10000x64xf32, #tpu.memory_space<vmem_shared>> -> memref<125x64xf32, #tpu.memory_space<vmem_shared>>
      %dma_start3A_65 = arith.constant 0 : i32
      %dma_start3A_66 = tpu.memref_slice %arg13[%add3A_12, %dma_start3A_65] : memref<10000x64xf32, #tpu.memory_space<vmem_shared>> -> memref<125x64xf32, #tpu.memory_space<vmem_shared>>
      tpu.enqueue_dma source(%arg12 : memref<125x64xf32, #tpu.memory_space<vmem>>) target(%dma_start3A_66 : memref<125x64xf32, #tpu.memory_space<vmem_shared>>) target_semaphore(%run_scoped3A_62 : memref<!tpu.dma_semaphore, #tpu.memory_space<semaphore_mem>>)
      %dma_wait3A = arith.constant 0 : i32
      %dma_wait3A_67 = tpu.memref_slice %arg13[%add3A_12, %dma_wait3A] : memref<10000x64xf32, #tpu.memory_space<vmem_shared>> -> memref<125x64xf32, #tpu.memory_space<vmem_shared>>
      %dma_wait3A_68 = arith.constant 0 : i32
      %dma_wait3A_69 = tpu.memref_slice %arg13[%add3A_12, %dma_wait3A_68] : memref<10000x64xf32, #tpu.memory_space<vmem_shared>> -> memref<125x64xf32, #tpu.memory_space<vmem_shared>>
      tpu.wait_dma2 semaphore(%run_scoped3A_62 : memref<!tpu.dma_semaphore, #tpu.memory_space<semaphore_mem>>) src(%arg12 : memref<125x64xf32, #tpu.memory_space<vmem>>) dst(%dma_wait3A_69 : memref<125x64xf32, #tpu.memory_space<vmem_shared>>)
      tpu.yield
    }) : () -> ()
    %mul3A_13 = arith.constant 625 : i32
    %mul3A_14 = arith.muli %arg1, %mul3A_13 : i32
    %add3A_15 = arith.constant 250 : i32
    %add3A_16 = arith.addi %mul3A_14, %add3A_15 : i32
    "tpu.region"() ({
      %run_scoped3A_62 = tpu.sem_alloc : memref<!tpu.dma_semaphore, #tpu.memory_space<semaphore_mem>>
      %dma_start3A_63 = arith.constant 0 : i32
      %dma_start3A_64 = tpu.memref_slice %arg13[%add3A_16, %dma_start3A_63] : memref<10000x64xf32, #tpu.memory_space<vmem_shared>> -> memref<125x64xf32, #tpu.memory_space<vmem_shared>>
      %dma_start3A_65 = arith.constant 0 : i32
      %dma_start3A_66 = tpu.memref_slice %arg13[%add3A_16, %dma_start3A_65] : memref<10000x64xf32, #tpu.memory_space<vmem_shared>> -> memref<125x64xf32, #tpu.memory_space<vmem_shared>>
      tpu.enqueue_dma source(%arg12 : memref<125x64xf32, #tpu.memory_space<vmem>>) target(%dma_start3A_66 : memref<125x64xf32, #tpu.memory_space<vmem_shared>>) target_semaphore(%run_scoped3A_62 : memref<!tpu.dma_semaphore, #tpu.memory_space<semaphore_mem>>)
      %dma_wait3A = arith.constant 0 : i32
      %dma_wait3A_67 = tpu.memref_slice %arg13[%add3A_16, %dma_wait3A] : memref<10000x64xf32, #tpu.memory_space<vmem_shared>> -> memref<125x64xf32, #tpu.memory_space<vmem_shared>>
      %dma_wait3A_68 = arith.constant 0 : i32
      %dma_wait3A_69 = tpu.memref_slice %arg13[%add3A_16, %dma_wait3A_68] : memref<10000x64xf32, #tpu.memory_space<vmem_shared>> -> memref<125x64xf32, #tpu.memory_space<vmem_shared>>
      tpu.wait_dma2 semaphore(%run_scoped3A_62 : memref<!tpu.dma_semaphore, #tpu.memory_space<semaphore_mem>>) src(%arg12 : memref<125x64xf32, #tpu.memory_space<vmem>>) dst(%dma_wait3A_69 : memref<125x64xf32, #tpu.memory_space<vmem_shared>>)
      tpu.yield
    }) : () -> ()
    %mul3A_17 = arith.constant 625 : i32
    %mul3A_18 = arith.muli %arg1, %mul3A_17 : i32
    %add3A_19 = arith.constant 375 : i32
    %add3A_20 = arith.addi %mul3A_18, %add3A_19 : i32
    "tpu.region"() ({
      %run_scoped3A_62 = tpu.sem_alloc : memref<!tpu.dma_semaphore, #tpu.memory_space<semaphore_mem>>
      %dma_start3A_63 = arith.constant 0 : i32
      %dma_start3A_64 = tpu.memref_slice %arg13[%add3A_20, %dma_start3A_63] : memref<10000x64xf32, #tpu.memory_space<vmem_shared>> -> memref<125x64xf32, #tpu.memory_space<vmem_shared>>
      %dma_start3A_65 = arith.constant 0 : i32
      %dma_start3A_66 = tpu.memref_slice %arg13[%add3A_20, %dma_start3A_65] : memref<10000x64xf32, #tpu.memory_space<vmem_shared>> -> memref<125x64xf32, #tpu.memory_space<vmem_shared>>
      tpu.enqueue_dma source(%arg12 : memref<125x64xf32, #tpu.memory_space<vmem>>) target(%dma_start3A_66 : memref<125x64xf32, #tpu.memory_space<vmem_shared>>) target_semaphore(%run_scoped3A_62 : memref<!tpu.dma_semaphore, #tpu.memory_space<semaphore_mem>>)
      %dma_wait3A = arith.constant 0 : i32
      %dma_wait3A_67 = tpu.memref_slice %arg13[%add3A_20, %dma_wait3A] : memref<10000x64xf32, #tpu.memory_space<vmem_shared>> -> memref<125x64xf32, #tpu.memory_space<vmem_shared>>
      %dma_wait3A_68 = arith.constant 0 : i32
      %dma_wait3A_69 = tpu.memref_slice %arg13[%add3A_20, %dma_wait3A_68] : memref<10000x64xf32, #tpu.memory_space<vmem_shared>> -> memref<125x64xf32, #tpu.memory_space<vmem_shared>>
      tpu.wait_dma2 semaphore(%run_scoped3A_62 : memref<!tpu.dma_semaphore, #tpu.memory_space<semaphore_mem>>) src(%arg12 : memref<125x64xf32, #tpu.memory_space<vmem>>) dst(%dma_wait3A_69 : memref<125x64xf32, #tpu.memory_space<vmem_shared>>)
      tpu.yield
    }) : () -> ()
    %mul3A_21 = arith.constant 625 : i32
    %mul3A_22 = arith.muli %arg1, %mul3A_21 : i32
    %add3A_23 = arith.constant 500 : i32
    %add3A_24 = arith.addi %mul3A_22, %add3A_23 : i32
    "tpu.region"() ({
      %run_scoped3A_62 = tpu.sem_alloc : memref<!tpu.dma_semaphore, #tpu.memory_space<semaphore_mem>>
      %dma_start3A_63 = arith.constant 0 : i32
      %dma_start3A_64 = tpu.memref_slice %arg13[%add3A_24, %dma_start3A_63] : memref<10000x64xf32, #tpu.memory_space<vmem_shared>> -> memref<125x64xf32, #tpu.memory_space<vmem_shared>>
      %dma_start3A_65 = arith.constant 0 : i32
      %dma_start3A_66 = tpu.memref_slice %arg13[%add3A_24, %dma_start3A_65] : memref<10000x64xf32, #tpu.memory_space<vmem_shared>> -> memref<125x64xf32, #tpu.memory_space<vmem_shared>>
      tpu.enqueue_dma source(%arg12 : memref<125x64xf32, #tpu.memory_space<vmem>>) target(%dma_start3A_66 : memref<125x64xf32, #tpu.memory_space<vmem_shared>>) target_semaphore(%run_scoped3A_62 : memref<!tpu.dma_semaphore, #tpu.memory_space<semaphore_mem>>)
      %dma_wait3A = arith.constant 0 : i32
      %dma_wait3A_67 = tpu.memref_slice %arg13[%add3A_24, %dma_wait3A] : memref<10000x64xf32, #tpu.memory_space<vmem_shared>> -> memref<125x64xf32, #tpu.memory_space<vmem_shared>>
      %dma_wait3A_68 = arith.constant 0 : i32
      %dma_wait3A_69 = tpu.memref_slice %arg13[%add3A_24, %dma_wait3A_68] : memref<10000x64xf32, #tpu.memory_space<vmem_shared>> -> memref<125x64xf32, #tpu.memory_space<vmem_shared>>
      tpu.wait_dma2 semaphore(%run_scoped3A_62 : memref<!tpu.dma_semaphore, #tpu.memory_space<semaphore_mem>>) src(%arg12 : memref<125x64xf32, #tpu.memory_space<vmem>>) dst(%dma_wait3A_69 : memref<125x64xf32, #tpu.memory_space<vmem_shared>>)
      tpu.yield
    }) : () -> ()
    %barrier3A = arith.constant 0 : index
    tpu.barrier barrier_id(%barrier3A)
    %dma_start3A = arith.constant 0 : i32
    %dma_start3A_25 = arith.constant 0 : i32
    %dma_start3A_26 = tpu.memref_slice %arg6[%dma_start3A, %dma_start3A_25] : memref<80x125xi32, #tpu.memory_space<vmem>> -> memref<1x125xi32, #tpu.memory_space<vmem>>
    %dma_start3A_27 = tpu.memref_squeeze %dma_start3A_26 : memref<1x125xi32, #tpu.memory_space<vmem>> -> memref<125xi32, #tpu.memory_space<vmem>>
    %dma_start3A_28 = arith.constant 0 : i32
    %dma_start3A_29 = arith.constant 0 : i32
    %dma_start3A_30 = tpu.memref_slice %arg2[%dma_start3A_28, %dma_start3A_29] : memref<20000x64xf32, #tpu.memory_space<hbm>> -> memref<20000x64xf32, #tpu.memory_space<hbm>>
    tpu.enqueue_indirect_dma source(%dma_start3A_30 : memref<20000x64xf32, #tpu.memory_space<hbm>>) target(%arg8 : memref<125x64xf32, #tpu.memory_space<vmem>>) offsets(%dma_start3A_27 : memref<125xi32, #tpu.memory_space<vmem>>) semaphore(%arg14 : memref<!tpu.dma_semaphore, #tpu.memory_space<semaphore_mem>>)
    %dma_start3A_31 = arith.constant 1 : i32
    %dma_start3A_32 = arith.constant 0 : i32
    %dma_start3A_33 = tpu.memref_slice %arg6[%dma_start3A_31, %dma_start3A_32] : memref<80x125xi32, #tpu.memory_space<vmem>> -> memref<1x125xi32, #tpu.memory_space<vmem>>
    %dma_start3A_34 = tpu.memref_squeeze %dma_start3A_33 : memref<1x125xi32, #tpu.memory_space<vmem>> -> memref<125xi32, #tpu.memory_space<vmem>>
    %dma_start3A_35 = arith.constant 0 : i32
    %dma_start3A_36 = arith.constant 0 : i32
    %dma_start3A_37 = tpu.memref_slice %arg2[%dma_start3A_35, %dma_start3A_36] : memref<20000x64xf32, #tpu.memory_space<hbm>> -> memref<20000x64xf32, #tpu.memory_space<hbm>>
    tpu.enqueue_indirect_dma source(%dma_start3A_37 : memref<20000x64xf32, #tpu.memory_space<hbm>>) target(%arg9 : memref<125x64xf32, #tpu.memory_space<vmem>>) offsets(%dma_start3A_34 : memref<125xi32, #tpu.memory_space<vmem>>) semaphore(%arg15 : memref<!tpu.dma_semaphore, #tpu.memory_space<semaphore_mem>>)
    %dma_start3A_38 = arith.constant 2 : i32
    %dma_start3A_39 = arith.constant 0 : i32
    %dma_start3A_40 = tpu.memref_slice %arg6[%dma_start3A_38, %dma_start3A_39] : memref<80x125xi32, #tpu.memory_space<vmem>> -> memref<1x125xi32, #tpu.memory_space<vmem>>
    %dma_start3A_41 = tpu.memref_squeeze %dma_start3A_40 : memref<1x125xi32, #tpu.memory_space<vmem>> -> memref<125xi32, #tpu.memory_space<vmem>>
    %dma_start3A_42 = arith.constant 0 : i32
    %dma_start3A_43 = arith.constant 0 : i32
    %dma_start3A_44 = tpu.memref_slice %arg2[%dma_start3A_42, %dma_start3A_43] : memref<20000x64xf32, #tpu.memory_space<hbm>> -> memref<20000x64xf32, #tpu.memory_space<hbm>>
    tpu.enqueue_indirect_dma source(%dma_start3A_44 : memref<20000x64xf32, #tpu.memory_space<hbm>>) target(%arg10 : memref<125x64xf32, #tpu.memory_space<vmem>>) offsets(%dma_start3A_41 : memref<125xi32, #tpu.memory_space<vmem>>) semaphore(%arg16 : memref<!tpu.dma_semaphore, #tpu.memory_space<semaphore_mem>>)
    %dma_start3A_45 = arith.constant 3 : i32
    %dma_start3A_46 = arith.constant 0 : i32
    %dma_start3A_47 = tpu.memref_slice %arg6[%dma_start3A_45, %dma_start3A_46] : memref<80x125xi32, #tpu.memory_space<vmem>> -> memref<1x125xi32, #tpu.memory_space<vmem>>
    %dma_start3A_48 = tpu.memref_squeeze %dma_start3A_47 : memref<1x125xi32, #tpu.memory_space<vmem>> -> memref<125xi32, #tpu.memory_space<vmem>>
    %dma_start3A_49 = arith.constant 0 : i32
    %dma_start3A_50 = arith.constant 0 : i32
    %dma_start3A_51 = tpu.memref_slice %arg2[%dma_start3A_49, %dma_start3A_50] : memref<20000x64xf32, #tpu.memory_space<hbm>> -> memref<20000x64xf32, #tpu.memory_space<hbm>>
    tpu.enqueue_indirect_dma source(%dma_start3A_51 : memref<20000x64xf32, #tpu.memory_space<hbm>>) target(%arg11 : memref<125x64xf32, #tpu.memory_space<vmem>>) offsets(%dma_start3A_48 : memref<125xi32, #tpu.memory_space<vmem>>) semaphore(%arg17 : memref<!tpu.dma_semaphore, #tpu.memory_space<semaphore_mem>>)
    %scan3A = arith.constant 0 : i32
    %scan3A_52 = arith.constant 0 : i32
    %scan3A_53 = arith.constant 20 : i32
    %scan3A_54 = arith.addi %scan3A_52, %scan3A_53 : i32
    %scan3A_55 = arith.constant 1 : i32
    scf.for %scan3A_62 = %scan3A_52 to %scan3A_54 step %scan3A_55  : i32 {
      %mul3A_63 = arith.constant 4 : i32
      %mul3A_64 = arith.muli %mul3A_63, %scan3A_62 : i32
      %add3A_65 = arith.constant 0 : i32
      %add3A_66 = arith.addi %mul3A_64, %add3A_65 : i32
      %dma_wait3A = arith.constant 0 : i32
      %dma_wait3A_67 = tpu.memref_slice %arg6[%add3A_66, %dma_wait3A] : memref<80x125xi32, #tpu.memory_space<vmem>> -> memref<1x125xi32, #tpu.memory_space<vmem>>
      %dma_wait3A_68 = tpu.memref_squeeze %dma_wait3A_67 : memref<1x125xi32, #tpu.memory_space<vmem>> -> memref<125xi32, #tpu.memory_space<vmem>>
      %dma_wait3A_69 = arith.constant 0 : i32
      %dma_wait3A_70 = arith.constant 0 : i32
      %dma_wait3A_71 = tpu.memref_slice %arg2[%dma_wait3A_69, %dma_wait3A_70] : memref<20000x64xf32, #tpu.memory_space<hbm>> -> memref<20000x64xf32, #tpu.memory_space<hbm>>
      tpu.wait_indirect_dma semaphore(%arg14 : memref<!tpu.dma_semaphore, #tpu.memory_space<semaphore_mem>>) src(%dma_wait3A_71 : memref<20000x64xf32, #tpu.memory_space<hbm>>) dst(%arg8 : memref<125x64xf32, #tpu.memory_space<vmem>>)
      %add3A_72 = arith.constant 0 : i32
      %add3A_73 = arith.addi %mul3A_64, %add3A_72 : i32
      %dma_start3A_74 = arith.constant 0 : i32
      %dma_start3A_75 = tpu.memref_slice %arg7[%add3A_73, %dma_start3A_74] : memref<80x125xi32, #tpu.memory_space<vmem>> -> memref<1x125xi32, #tpu.memory_space<vmem>>
      %dma_start3A_76 = tpu.memref_squeeze %dma_start3A_75 : memref<1x125xi32, #tpu.memory_space<vmem>> -> memref<125xi32, #tpu.memory_space<vmem>>
      %dma_start3A_77 = arith.constant 0 : i32
      %dma_start3A_78 = arith.constant 0 : i32
      %dma_start3A_79 = tpu.memref_slice %arg13[%dma_start3A_77, %dma_start3A_78] : memref<10000x64xf32, #tpu.memory_space<vmem_shared>> -> memref<10000x64xf32, #tpu.memory_space<vmem_shared>>
      tpu.enqueue_indirect_dma source(%arg8 : memref<125x64xf32, #tpu.memory_space<vmem>>) target(%dma_start3A_79 : memref<10000x64xf32, #tpu.memory_space<vmem_shared>>) offsets(%dma_start3A_76 : memref<125xi32, #tpu.memory_space<vmem>>) semaphore(%arg18 : memref<!tpu.dma_semaphore, #tpu.memory_space<semaphore_mem>>) {add = true}
      %add3A_80 = arith.constant 1 : i32
      %add3A_81 = arith.addi %mul3A_64, %add3A_80 : i32
      %dma_wait3A_82 = arith.constant 0 : i32
      %dma_wait3A_83 = tpu.memref_slice %arg6[%add3A_81, %dma_wait3A_82] : memref<80x125xi32, #tpu.memory_space<vmem>> -> memref<1x125xi32, #tpu.memory_space<vmem>>
      %dma_wait3A_84 = tpu.memref_squeeze %dma_wait3A_83 : memref<1x125xi32, #tpu.memory_space<vmem>> -> memref<125xi32, #tpu.memory_space<vmem>>
      %dma_wait3A_85 = arith.constant 0 : i32
      %dma_wait3A_86 = arith.constant 0 : i32
      %dma_wait3A_87 = tpu.memref_slice %arg2[%dma_wait3A_85, %dma_wait3A_86] : memref<20000x64xf32, #tpu.memory_space<hbm>> -> memref<20000x64xf32, #tpu.memory_space<hbm>>
      tpu.wait_indirect_dma semaphore(%arg15 : memref<!tpu.dma_semaphore, #tpu.memory_space<semaphore_mem>>) src(%dma_wait3A_87 : memref<20000x64xf32, #tpu.memory_space<hbm>>) dst(%arg9 : memref<125x64xf32, #tpu.memory_space<vmem>>)
      %add3A_88 = arith.constant 1 : i32
      %add3A_89 = arith.addi %mul3A_64, %add3A_88 : i32
      %dma_start3A_90 = arith.constant 0 : i32
      %dma_start3A_91 = tpu.memref_slice %arg7[%add3A_89, %dma_start3A_90] : memref<80x125xi32, #tpu.memory_space<vmem>> -> memref<1x125xi32, #tpu.memory_space<vmem>>
      %dma_start3A_92 = tpu.memref_squeeze %dma_start3A_91 : memref<1x125xi32, #tpu.memory_space<vmem>> -> memref<125xi32, #tpu.memory_space<vmem>>
      %dma_start3A_93 = arith.constant 0 : i32
      %dma_start3A_94 = arith.constant 0 : i32
      %dma_start3A_95 = tpu.memref_slice %arg13[%dma_start3A_93, %dma_start3A_94] : memref<10000x64xf32, #tpu.memory_space<vmem_shared>> -> memref<10000x64xf32, #tpu.memory_space<vmem_shared>>
      tpu.enqueue_indirect_dma source(%arg9 : memref<125x64xf32, #tpu.memory_space<vmem>>) target(%dma_start3A_95 : memref<10000x64xf32, #tpu.memory_space<vmem_shared>>) offsets(%dma_start3A_92 : memref<125xi32, #tpu.memory_space<vmem>>) semaphore(%arg19 : memref<!tpu.dma_semaphore, #tpu.memory_space<semaphore_mem>>) {add = true}
      %add3A_96 = arith.constant 2 : i32
      %add3A_97 = arith.addi %mul3A_64, %add3A_96 : i32
      %dma_wait3A_98 = arith.constant 0 : i32
      %dma_wait3A_99 = tpu.memref_slice %arg6[%add3A_97, %dma_wait3A_98] : memref<80x125xi32, #tpu.memory_space<vmem>> -> memref<1x125xi32, #tpu.memory_space<vmem>>
      %dma_wait3A_100 = tpu.memref_squeeze %dma_wait3A_99 : memref<1x125xi32, #tpu.memory_space<vmem>> -> memref<125xi32, #tpu.memory_space<vmem>>
      %dma_wait3A_101 = arith.constant 0 : i32
      %dma_wait3A_102 = arith.constant 0 : i32
      %dma_wait3A_103 = tpu.memref_slice %arg2[%dma_wait3A_101, %dma_wait3A_102] : memref<20000x64xf32, #tpu.memory_space<hbm>> -> memref<20000x64xf32, #tpu.memory_space<hbm>>
      tpu.wait_indirect_dma semaphore(%arg16 : memref<!tpu.dma_semaphore, #tpu.memory_space<semaphore_mem>>) src(%dma_wait3A_103 : memref<20000x64xf32, #tpu.memory_space<hbm>>) dst(%arg10 : memref<125x64xf32, #tpu.memory_space<vmem>>)
      %add3A_104 = arith.constant 2 : i32
      %add3A_105 = arith.addi %mul3A_64, %add3A_104 : i32
      %dma_start3A_106 = arith.constant 0 : i32
      %dma_start3A_107 = tpu.memref_slice %arg7[%add3A_105, %dma_start3A_106] : memref<80x125xi32, #tpu.memory_space<vmem>> -> memref<1x125xi32, #tpu.memory_space<vmem>>
      %dma_start3A_108 = tpu.memref_squeeze %dma_start3A_107 : memref<1x125xi32, #tpu.memory_space<vmem>> -> memref<125xi32, #tpu.memory_space<vmem>>
      %dma_start3A_109 = arith.constant 0 : i32
      %dma_start3A_110 = arith.constant 0 : i32
      %dma_start3A_111 = tpu.memref_slice %arg13[%dma_start3A_109, %dma_start3A_110] : memref<10000x64xf32, #tpu.memory_space<vmem_shared>> -> memref<10000x64xf32, #tpu.memory_space<vmem_shared>>
      tpu.enqueue_indirect_dma source(%arg10 : memref<125x64xf32, #tpu.memory_space<vmem>>) target(%dma_start3A_111 : memref<10000x64xf32, #tpu.memory_space<vmem_shared>>) offsets(%dma_start3A_108 : memref<125xi32, #tpu.memory_space<vmem>>) semaphore(%arg20 : memref<!tpu.dma_semaphore, #tpu.memory_space<semaphore_mem>>) {add = true}
      %add3A_112 = arith.constant 3 : i32
      %add3A_113 = arith.addi %mul3A_64, %add3A_112 : i32
      %dma_wait3A_114 = arith.constant 0 : i32
      %dma_wait3A_115 = tpu.memref_slice %arg6[%add3A_113, %dma_wait3A_114] : memref<80x125xi32, #tpu.memory_space<vmem>> -> memref<1x125xi32, #tpu.memory_space<vmem>>
      %dma_wait3A_116 = tpu.memref_squeeze %dma_wait3A_115 : memref<1x125xi32, #tpu.memory_space<vmem>> -> memref<125xi32, #tpu.memory_space<vmem>>
      %dma_wait3A_117 = arith.constant 0 : i32
      %dma_wait3A_118 = arith.constant 0 : i32
      %dma_wait3A_119 = tpu.memref_slice %arg2[%dma_wait3A_117, %dma_wait3A_118] : memref<20000x64xf32, #tpu.memory_space<hbm>> -> memref<20000x64xf32, #tpu.memory_space<hbm>>
      tpu.wait_indirect_dma semaphore(%arg17 : memref<!tpu.dma_semaphore, #tpu.memory_space<semaphore_mem>>) src(%dma_wait3A_119 : memref<20000x64xf32, #tpu.memory_space<hbm>>) dst(%arg11 : memref<125x64xf32, #tpu.memory_space<vmem>>)
      %add3A_120 = arith.constant 3 : i32
      %add3A_121 = arith.addi %mul3A_64, %add3A_120 : i32
      %dma_start3A_122 = arith.constant 0 : i32
      %dma_start3A_123 = tpu.memref_slice %arg7[%add3A_121, %dma_start3A_122] : memref<80x125xi32, #tpu.memory_space<vmem>> -> memref<1x125xi32, #tpu.memory_space<vmem>>
      %dma_start3A_124 = tpu.memref_squeeze %dma_start3A_123 : memref<1x125xi32, #tpu.memory_space<vmem>> -> memref<125xi32, #tpu.memory_space<vmem>>
      %dma_start3A_125 = arith.constant 0 : i32
      %dma_start3A_126 = arith.constant 0 : i32
      %dma_start3A_127 = tpu.memref_slice %arg13[%dma_start3A_125, %dma_start3A_126] : memref<10000x64xf32, #tpu.memory_space<vmem_shared>> -> memref<10000x64xf32, #tpu.memory_space<vmem_shared>>
      tpu.enqueue_indirect_dma source(%arg11 : memref<125x64xf32, #tpu.memory_space<vmem>>) target(%dma_start3A_127 : memref<10000x64xf32, #tpu.memory_space<vmem_shared>>) offsets(%dma_start3A_124 : memref<125xi32, #tpu.memory_space<vmem>>) semaphore(%arg21 : memref<!tpu.dma_semaphore, #tpu.memory_space<semaphore_mem>>) {add = true}
      %add3A_128 = arith.constant 0 : i32
      %add3A_129 = arith.addi %mul3A_64, %add3A_128 : i32
      %dma_wait3A_130 = arith.constant 0 : i32
      %dma_wait3A_131 = tpu.memref_slice %arg7[%add3A_129, %dma_wait3A_130] : memref<80x125xi32, #tpu.memory_space<vmem>> -> memref<1x125xi32, #tpu.memory_space<vmem>>
      %dma_wait3A_132 = tpu.memref_squeeze %dma_wait3A_131 : memref<1x125xi32, #tpu.memory_space<vmem>> -> memref<125xi32, #tpu.memory_space<vmem>>
      %dma_wait3A_133 = arith.constant 0 : i32
      %dma_wait3A_134 = arith.constant 0 : i32
      %dma_wait3A_135 = tpu.memref_slice %arg13[%dma_wait3A_133, %dma_wait3A_134] : memref<10000x64xf32, #tpu.memory_space<vmem_shared>> -> memref<10000x64xf32, #tpu.memory_space<vmem_shared>>
      tpu.wait_indirect_dma semaphore(%arg18 : memref<!tpu.dma_semaphore, #tpu.memory_space<semaphore_mem>>) src(%arg8 : memref<125x64xf32, #tpu.memory_space<vmem>>) dst(%dma_wait3A_135 : memref<10000x64xf32, #tpu.memory_space<vmem_shared>>)
      %add3A_136 = arith.constant 4 : i32
      %add3A_137 = arith.addi %mul3A_64, %add3A_136 : i32
      %add3A_138 = arith.constant 0 : i32
      %add3A_139 = arith.addi %add3A_137, %add3A_138 : i32
      %lt3A = arith.constant 80 : i32
      %lt3A_140 = arith.cmpi slt, %add3A_139, %lt3A : i32
      %convert_element_type3A = arith.extui %lt3A_140 : i1 to i32
      %cond3A = arith.constant 0 : i32
      %cond3A_141 = arith.cmpi ne, %convert_element_type3A, %cond3A : i32
      scf.if %cond3A_141 {
        %add3A_193 = arith.constant 4 : i32
        %add3A_194 = arith.addi %mul3A_64, %add3A_193 : i32
        %add3A_195 = arith.constant 0 : i32
        %add3A_196 = arith.addi %add3A_194, %add3A_195 : i32
        %dma_start3A_197 = arith.constant 0 : i32
        %dma_start3A_198 = tpu.memref_slice %arg6[%add3A_196, %dma_start3A_197] : memref<80x125xi32, #tpu.memory_space<vmem>> -> memref<1x125xi32, #tpu.memory_space<vmem>>
        %dma_start3A_199 = tpu.memref_squeeze %dma_start3A_198 : memref<1x125xi32, #tpu.memory_space<vmem>> -> memref<125xi32, #tpu.memory_space<vmem>>
        %dma_start3A_200 = arith.constant 0 : i32
        %dma_start3A_201 = arith.constant 0 : i32
        %dma_start3A_202 = tpu.memref_slice %arg2[%dma_start3A_200, %dma_start3A_201] : memref<20000x64xf32, #tpu.memory_space<hbm>> -> memref<20000x64xf32, #tpu.memory_space<hbm>>
        tpu.enqueue_indirect_dma source(%dma_start3A_202 : memref<20000x64xf32, #tpu.memory_space<hbm>>) target(%arg8 : memref<125x64xf32, #tpu.memory_space<vmem>>) offsets(%dma_start3A_199 : memref<125xi32, #tpu.memory_space<vmem>>) semaphore(%arg14 : memref<!tpu.dma_semaphore, #tpu.memory_space<semaphore_mem>>)
      } else {
      }
      %add3A_142 = arith.constant 1 : i32
      %add3A_143 = arith.addi %mul3A_64, %add3A_142 : i32
      %dma_wait3A_144 = arith.constant 0 : i32
      %dma_wait3A_145 = tpu.memref_slice %arg7[%add3A_143, %dma_wait3A_144] : memref<80x125xi32, #tpu.memory_space<vmem>> -> memref<1x125xi32, #tpu.memory_space<vmem>>
      %dma_wait3A_146 = tpu.memref_squeeze %dma_wait3A_145 : memref<1x125xi32, #tpu.memory_space<vmem>> -> memref<125xi32, #tpu.memory_space<vmem>>
      %dma_wait3A_147 = arith.constant 0 : i32
      %dma_wait3A_148 = arith.constant 0 : i32
      %dma_wait3A_149 = tpu.memref_slice %arg13[%dma_wait3A_147, %dma_wait3A_148] : memref<10000x64xf32, #tpu.memory_space<vmem_shared>> -> memref<10000x64xf32, #tpu.memory_space<vmem_shared>>
      tpu.wait_indirect_dma semaphore(%arg19 : memref<!tpu.dma_semaphore, #tpu.memory_space<semaphore_mem>>) src(%arg9 : memref<125x64xf32, #tpu.memory_space<vmem>>) dst(%dma_wait3A_149 : memref<10000x64xf32, #tpu.memory_space<vmem_shared>>)
      %add3A_150 = arith.constant 4 : i32
      %add3A_151 = arith.addi %mul3A_64, %add3A_150 : i32
      %add3A_152 = arith.constant 1 : i32
      %add3A_153 = arith.addi %add3A_151, %add3A_152 : i32
      %lt3A_154 = arith.constant 80 : i32
      %lt3A_155 = arith.cmpi slt, %add3A_153, %lt3A_154 : i32
      %convert_element_type3A_156 = arith.extui %lt3A_155 : i1 to i32
      %cond3A_157 = arith.constant 0 : i32
      %cond3A_158 = arith.cmpi ne, %convert_element_type3A_156, %cond3A_157 : i32
      scf.if %cond3A_158 {
        %add3A_193 = arith.constant 4 : i32
        %add3A_194 = arith.addi %mul3A_64, %add3A_193 : i32
        %add3A_195 = arith.constant 1 : i32
        %add3A_196 = arith.addi %add3A_194, %add3A_195 : i32
        %dma_start3A_197 = arith.constant 0 : i32
        %dma_start3A_198 = tpu.memref_slice %arg6[%add3A_196, %dma_start3A_197] : memref<80x125xi32, #tpu.memory_space<vmem>> -> memref<1x125xi32, #tpu.memory_space<vmem>>
        %dma_start3A_199 = tpu.memref_squeeze %dma_start3A_198 : memref<1x125xi32, #tpu.memory_space<vmem>> -> memref<125xi32, #tpu.memory_space<vmem>>
        %dma_start3A_200 = arith.constant 0 : i32
        %dma_start3A_201 = arith.constant 0 : i32
        %dma_start3A_202 = tpu.memref_slice %arg2[%dma_start3A_200, %dma_start3A_201] : memref<20000x64xf32, #tpu.memory_space<hbm>> -> memref<20000x64xf32, #tpu.memory_space<hbm>>
        tpu.enqueue_indirect_dma source(%dma_start3A_202 : memref<20000x64xf32, #tpu.memory_space<hbm>>) target(%arg9 : memref<125x64xf32, #tpu.memory_space<vmem>>) offsets(%dma_start3A_199 : memref<125xi32, #tpu.memory_space<vmem>>) semaphore(%arg15 : memref<!tpu.dma_semaphore, #tpu.memory_space<semaphore_mem>>)
      } else {
      }
      %add3A_159 = arith.constant 2 : i32
      %add3A_160 = arith.addi %mul3A_64, %add3A_159 : i32
      %dma_wait3A_161 = arith.constant 0 : i32
      %dma_wait3A_162 = tpu.memref_slice %arg7[%add3A_160, %dma_wait3A_161] : memref<80x125xi32, #tpu.memory_space<vmem>> -> memref<1x125xi32, #tpu.memory_space<vmem>>
      %dma_wait3A_163 = tpu.memref_squeeze %dma_wait3A_162 : memref<1x125xi32, #tpu.memory_space<vmem>> -> memref<125xi32, #tpu.memory_space<vmem>>
      %dma_wait3A_164 = arith.constant 0 : i32
      %dma_wait3A_165 = arith.constant 0 : i32
      %dma_wait3A_166 = tpu.memref_slice %arg13[%dma_wait3A_164, %dma_wait3A_165] : memref<10000x64xf32, #tpu.memory_space<vmem_shared>> -> memref<10000x64xf32, #tpu.memory_space<vmem_shared>>
      tpu.wait_indirect_dma semaphore(%arg20 : memref<!tpu.dma_semaphore, #tpu.memory_space<semaphore_mem>>) src(%arg10 : memref<125x64xf32, #tpu.memory_space<vmem>>) dst(%dma_wait3A_166 : memref<10000x64xf32, #tpu.memory_space<vmem_shared>>)
      %add3A_167 = arith.constant 4 : i32
      %add3A_168 = arith.addi %mul3A_64, %add3A_167 : i32
      %add3A_169 = arith.constant 2 : i32
      %add3A_170 = arith.addi %add3A_168, %add3A_169 : i32
      %lt3A_171 = arith.constant 80 : i32
      %lt3A_172 = arith.cmpi slt, %add3A_170, %lt3A_171 : i32
      %convert_element_type3A_173 = arith.extui %lt3A_172 : i1 to i32
      %cond3A_174 = arith.constant 0 : i32
      %cond3A_175 = arith.cmpi ne, %convert_element_type3A_173, %cond3A_174 : i32
      scf.if %cond3A_175 {
        %add3A_193 = arith.constant 4 : i32
        %add3A_194 = arith.addi %mul3A_64, %add3A_193 : i32
        %add3A_195 = arith.constant 2 : i32
        %add3A_196 = arith.addi %add3A_194, %add3A_195 : i32
        %dma_start3A_197 = arith.constant 0 : i32
        %dma_start3A_198 = tpu.memref_slice %arg6[%add3A_196, %dma_start3A_197] : memref<80x125xi32, #tpu.memory_space<vmem>> -> memref<1x125xi32, #tpu.memory_space<vmem>>
        %dma_start3A_199 = tpu.memref_squeeze %dma_start3A_198 : memref<1x125xi32, #tpu.memory_space<vmem>> -> memref<125xi32, #tpu.memory_space<vmem>>
        %dma_start3A_200 = arith.constant 0 : i32
        %dma_start3A_201 = arith.constant 0 : i32
        %dma_start3A_202 = tpu.memref_slice %arg2[%dma_start3A_200, %dma_start3A_201] : memref<20000x64xf32, #tpu.memory_space<hbm>> -> memref<20000x64xf32, #tpu.memory_space<hbm>>
        tpu.enqueue_indirect_dma source(%dma_start3A_202 : memref<20000x64xf32, #tpu.memory_space<hbm>>) target(%arg10 : memref<125x64xf32, #tpu.memory_space<vmem>>) offsets(%dma_start3A_199 : memref<125xi32, #tpu.memory_space<vmem>>) semaphore(%arg16 : memref<!tpu.dma_semaphore, #tpu.memory_space<semaphore_mem>>)
      } else {
      }
      %add3A_176 = arith.constant 3 : i32
      %add3A_177 = arith.addi %mul3A_64, %add3A_176 : i32
      %dma_wait3A_178 = arith.constant 0 : i32
      %dma_wait3A_179 = tpu.memref_slice %arg7[%add3A_177, %dma_wait3A_178] : memref<80x125xi32, #tpu.memory_space<vmem>> -> memref<1x125xi32, #tpu.memory_space<vmem>>
      %dma_wait3A_180 = tpu.memref_squeeze %dma_wait3A_179 : memref<1x125xi32, #tpu.memory_space<vmem>> -> memref<125xi32, #tpu.memory_space<vmem>>
      %dma_wait3A_181 = arith.constant 0 : i32
      %dma_wait3A_182 = arith.constant 0 : i32
      %dma_wait3A_183 = tpu.memref_slice %arg13[%dma_wait3A_181, %dma_wait3A_182] : memref<10000x64xf32, #tpu.memory_space<vmem_shared>> -> memref<10000x64xf32, #tpu.memory_space<vmem_shared>>
      tpu.wait_indirect_dma semaphore(%arg21 : memref<!tpu.dma_semaphore, #tpu.memory_space<semaphore_mem>>) src(%arg11 : memref<125x64xf32, #tpu.memory_space<vmem>>) dst(%dma_wait3A_183 : memref<10000x64xf32, #tpu.memory_space<vmem_shared>>)
      %add3A_184 = arith.constant 4 : i32
      %add3A_185 = arith.addi %mul3A_64, %add3A_184 : i32
      %add3A_186 = arith.constant 3 : i32
      %add3A_187 = arith.addi %add3A_185, %add3A_186 : i32
      %lt3A_188 = arith.constant 80 : i32
      %lt3A_189 = arith.cmpi slt, %add3A_187, %lt3A_188 : i32
      %convert_element_type3A_190 = arith.extui %lt3A_189 : i1 to i32
      %cond3A_191 = arith.constant 0 : i32
      %cond3A_192 = arith.cmpi ne, %convert_element_type3A_190, %cond3A_191 : i32
      scf.if %cond3A_192 {
        %add3A_193 = arith.constant 4 : i32
        %add3A_194 = arith.addi %mul3A_64, %add3A_193 : i32
        %add3A_195 = arith.constant 3 : i32
        %add3A_196 = arith.addi %add3A_194, %add3A_195 : i32
        %dma_start3A_197 = arith.constant 0 : i32
        %dma_start3A_198 = tpu.memref_slice %arg6[%add3A_196, %dma_start3A_197] : memref<80x125xi32, #tpu.memory_space<vmem>> -> memref<1x125xi32, #tpu.memory_space<vmem>>
        %dma_start3A_199 = tpu.memref_squeeze %dma_start3A_198 : memref<1x125xi32, #tpu.memory_space<vmem>> -> memref<125xi32, #tpu.memory_space<vmem>>
        %dma_start3A_200 = arith.constant 0 : i32
        %dma_start3A_201 = arith.constant 0 : i32
        %dma_start3A_202 = tpu.memref_slice %arg2[%dma_start3A_200, %dma_start3A_201] : memref<20000x64xf32, #tpu.memory_space<hbm>> -> memref<20000x64xf32, #tpu.memory_space<hbm>>
        tpu.enqueue_indirect_dma source(%dma_start3A_202 : memref<20000x64xf32, #tpu.memory_space<hbm>>) target(%arg11 : memref<125x64xf32, #tpu.memory_space<vmem>>) offsets(%dma_start3A_199 : memref<125xi32, #tpu.memory_space<vmem>>) semaphore(%arg17 : memref<!tpu.dma_semaphore, #tpu.memory_space<semaphore_mem>>)
      } else {
      }
    }
    %scan3A_56 = arith.constant 20 : i32
    %barrier3A_57 = arith.constant 0 : index
    tpu.barrier barrier_id(%barrier3A_57)
    %mul3A_58 = arith.constant 625 : i32
    %mul3A_59 = arith.muli %arg1, %mul3A_58 : i32
    %mul3A_60 = arith.constant 625 : i32
    %mul3A_61 = arith.muli %arg1, %mul3A_60 : i32
    "tpu.region"() ({
      %run_scoped3A_62 = tpu.sem_alloc : memref<!tpu.dma_semaphore, #tpu.memory_space<semaphore_mem>>
      %dma_start3A_63 = arith.constant 0 : i32
      %dma_start3A_64 = tpu.memref_slice %arg5[%arg0, %mul3A_61, %dma_start3A_63] : memref<2x10000x128xf32, #tpu.memory_space<hbm>> -> memref<1x625x64xf32, #tpu.memory_space<hbm>>
      %dma_start3A_65 = tpu.memref_squeeze %dma_start3A_64 : memref<1x625x64xf32, #tpu.memory_space<hbm>> -> memref<625x64xf32, #tpu.memory_space<hbm>>
      %dma_start3A_66 = arith.constant 0 : i32
      %dma_start3A_67 = tpu.memref_slice %arg13[%mul3A_59, %dma_start3A_66] : memref<10000x64xf32, #tpu.memory_space<vmem_shared>> -> memref<625x64xf32, #tpu.memory_space<vmem_shared>>
      tpu.enqueue_dma source(%dma_start3A_67 : memref<625x64xf32, #tpu.memory_space<vmem_shared>>) target(%dma_start3A_65 : memref<625x64xf32, #tpu.memory_space<hbm>>) target_semaphore(%run_scoped3A_62 : memref<!tpu.dma_semaphore, #tpu.memory_space<semaphore_mem>>)
      %dma_wait3A = arith.constant 0 : i32
      %dma_wait3A_68 = tpu.memref_slice %arg5[%arg0, %mul3A_61, %dma_wait3A] : memref<2x10000x128xf32, #tpu.memory_space<hbm>> -> memref<1x625x64xf32, #tpu.memory_space<hbm>>
      %dma_wait3A_69 = tpu.memref_squeeze %dma_wait3A_68 : memref<1x625x64xf32, #tpu.memory_space<hbm>> -> memref<625x64xf32, #tpu.memory_space<hbm>>
      %dma_wait3A_70 = arith.constant 0 : i32
      %dma_wait3A_71 = tpu.memref_slice %arg13[%mul3A_59, %dma_wait3A_70] : memref<10000x64xf32, #tpu.memory_space<vmem_shared>> -> memref<625x64xf32, #tpu.memory_space<vmem_shared>>
      tpu.wait_dma2 semaphore(%run_scoped3A_62 : memref<!tpu.dma_semaphore, #tpu.memory_space<semaphore_mem>>) src(%dma_wait3A_71 : memref<625x64xf32, #tpu.memory_space<vmem_shared>>) dst(%dma_wait3A_69 : memref<625x64xf32, #tpu.memory_space<hbm>>)
      tpu.yield
    }) : () -> ()
    return
  }
}

#map = affine_map<(d0, d1) -> (0, 0, 0, 0)>
#map1 = affine_map<(d0, d1) -> (0, 0)>
#map2 = affine_map<(d0, d1) -> (0, 0, 0)>
module attributes {stable_mosaic.version = 14 : i64} {
  func.func @_deg_kernel(%arg0: i32, %arg1: i32, %arg2: memref<2x32x80x125xi32, #tpu.memory_space<hbm>>, %arg3: memref<125x16xf32, #tpu.memory_space<hbm>>, %arg4: memref<625x16xf32, #tpu.memory_space<hbm>>, %arg5: memref<2x10000x128xf32, #tpu.memory_space<hbm>>, %arg6: memref<80x125xi32, #tpu.memory_space<vmem>>, %arg7: memref<125x16xf32, #tpu.memory_space<vmem>>, %arg8: memref<625x16xf32, #tpu.memory_space<vmem>>, %arg9: memref<10000x16xf32, #tpu.memory_space<vmem_shared>>) attributes {dimension_semantics = [#tpu.dimension_semantics<core_parallel>, #tpu.dimension_semantics<subcore_parallel>], iteration_bounds = array<i64: 2, 16>, scalar_prefetch = 0 : i64, scratch_operands = 4 : i64, tpu.core_type = #tpu.core_type<sc_vector_subcore>, window_params = [{transform_indices = #map}, {transform_indices = #map1}, {transform_indices = #map1}, {transform_indices = #map2}]} {
    %mul3A = arith.constant 16 : i32
    %mul3A_0 = arith.muli %arg0, %mul3A : i32
    %add3A = arith.addi %mul3A_0, %arg1 : i32
    %run_scoped3A = arith.constant 1 : i32
    "tpu.region"() ({
      %run_scoped3A_13 = tpu.sem_alloc : memref<!tpu.dma_semaphore, #tpu.memory_space<semaphore_mem>>
      %dma_start3A = arith.constant 0 : i32
      %dma_start3A_14 = arith.constant 0 : i32
      %dma_start3A_15 = tpu.memref_slice %arg2[%run_scoped3A, %add3A, %dma_start3A, %dma_start3A_14] : memref<2x32x80x125xi32, #tpu.memory_space<hbm>> -> memref<1x1x80x125xi32, #tpu.memory_space<hbm>>
      %dma_start3A_16 = tpu.memref_squeeze %dma_start3A_15 : memref<1x1x80x125xi32, #tpu.memory_space<hbm>> -> memref<80x125xi32, #tpu.memory_space<hbm>>
      %dma_start3A_17 = arith.constant 0 : i32
      %dma_start3A_18 = arith.constant 0 : i32
      %dma_start3A_19 = tpu.memref_slice %arg2[%run_scoped3A, %add3A, %dma_start3A_17, %dma_start3A_18] : memref<2x32x80x125xi32, #tpu.memory_space<hbm>> -> memref<1x1x80x125xi32, #tpu.memory_space<hbm>>
      %dma_start3A_20 = tpu.memref_squeeze %dma_start3A_19 : memref<1x1x80x125xi32, #tpu.memory_space<hbm>> -> memref<80x125xi32, #tpu.memory_space<hbm>>
      tpu.enqueue_dma source(%dma_start3A_20 : memref<80x125xi32, #tpu.memory_space<hbm>>) target(%arg6 : memref<80x125xi32, #tpu.memory_space<vmem>>) target_semaphore(%run_scoped3A_13 : memref<!tpu.dma_semaphore, #tpu.memory_space<semaphore_mem>>)
      %dma_wait3A = arith.constant 0 : i32
      %dma_wait3A_21 = arith.constant 0 : i32
      %dma_wait3A_22 = tpu.memref_slice %arg2[%run_scoped3A, %add3A, %dma_wait3A, %dma_wait3A_21] : memref<2x32x80x125xi32, #tpu.memory_space<hbm>> -> memref<1x1x80x125xi32, #tpu.memory_space<hbm>>
      %dma_wait3A_23 = tpu.memref_squeeze %dma_wait3A_22 : memref<1x1x80x125xi32, #tpu.memory_space<hbm>> -> memref<80x125xi32, #tpu.memory_space<hbm>>
      %dma_wait3A_24 = arith.constant 0 : i32
      %dma_wait3A_25 = arith.constant 0 : i32
      %dma_wait3A_26 = tpu.memref_slice %arg2[%run_scoped3A, %add3A, %dma_wait3A_24, %dma_wait3A_25] : memref<2x32x80x125xi32, #tpu.memory_space<hbm>> -> memref<1x1x80x125xi32, #tpu.memory_space<hbm>>
      %dma_wait3A_27 = tpu.memref_squeeze %dma_wait3A_26 : memref<1x1x80x125xi32, #tpu.memory_space<hbm>> -> memref<80x125xi32, #tpu.memory_space<hbm>>
      tpu.wait_dma2 semaphore(%run_scoped3A_13 : memref<!tpu.dma_semaphore, #tpu.memory_space<semaphore_mem>>) src(%dma_wait3A_27 : memref<80x125xi32, #tpu.memory_space<hbm>>) dst(%arg6 : memref<80x125xi32, #tpu.memory_space<vmem>>)
      tpu.yield
    }) : () -> ()
    "tpu.region"() ({
      %run_scoped3A_13 = tpu.sem_alloc : memref<!tpu.dma_semaphore, #tpu.memory_space<semaphore_mem>>
      tpu.enqueue_dma source(%arg3 : memref<125x16xf32, #tpu.memory_space<hbm>>) target(%arg7 : memref<125x16xf32, #tpu.memory_space<vmem>>) target_semaphore(%run_scoped3A_13 : memref<!tpu.dma_semaphore, #tpu.memory_space<semaphore_mem>>)
      tpu.wait_dma2 semaphore(%run_scoped3A_13 : memref<!tpu.dma_semaphore, #tpu.memory_space<semaphore_mem>>) src(%arg3 : memref<125x16xf32, #tpu.memory_space<hbm>>) dst(%arg7 : memref<125x16xf32, #tpu.memory_space<vmem>>)
      tpu.yield
    }) : () -> ()
    "tpu.region"() ({
      %run_scoped3A_13 = tpu.sem_alloc : memref<!tpu.dma_semaphore, #tpu.memory_space<semaphore_mem>>
      tpu.enqueue_dma source(%arg4 : memref<625x16xf32, #tpu.memory_space<hbm>>) target(%arg8 : memref<625x16xf32, #tpu.memory_space<vmem>>) target_semaphore(%run_scoped3A_13 : memref<!tpu.dma_semaphore, #tpu.memory_space<semaphore_mem>>)
      tpu.wait_dma2 semaphore(%run_scoped3A_13 : memref<!tpu.dma_semaphore, #tpu.memory_space<semaphore_mem>>) src(%arg4 : memref<625x16xf32, #tpu.memory_space<hbm>>) dst(%arg8 : memref<625x16xf32, #tpu.memory_space<vmem>>)
      tpu.yield
    }) : () -> ()
    %mul3A_1 = arith.constant 625 : i32
    %mul3A_2 = arith.muli %arg1, %mul3A_1 : i32
    "tpu.region"() ({
      %run_scoped3A_13 = tpu.sem_alloc : memref<!tpu.dma_semaphore, #tpu.memory_space<semaphore_mem>>
      %dma_start3A = arith.constant 0 : i32
      %dma_start3A_14 = tpu.memref_slice %arg9[%mul3A_2, %dma_start3A] : memref<10000x16xf32, #tpu.memory_space<vmem_shared>> -> memref<625x16xf32, #tpu.memory_space<vmem_shared>>
      %dma_start3A_15 = arith.constant 0 : i32
      %dma_start3A_16 = tpu.memref_slice %arg9[%mul3A_2, %dma_start3A_15] : memref<10000x16xf32, #tpu.memory_space<vmem_shared>> -> memref<625x16xf32, #tpu.memory_space<vmem_shared>>
      tpu.enqueue_dma source(%arg8 : memref<625x16xf32, #tpu.memory_space<vmem>>) target(%dma_start3A_16 : memref<625x16xf32, #tpu.memory_space<vmem_shared>>) target_semaphore(%run_scoped3A_13 : memref<!tpu.dma_semaphore, #tpu.memory_space<semaphore_mem>>)
      %dma_wait3A = arith.constant 0 : i32
      %dma_wait3A_17 = tpu.memref_slice %arg9[%mul3A_2, %dma_wait3A] : memref<10000x16xf32, #tpu.memory_space<vmem_shared>> -> memref<625x16xf32, #tpu.memory_space<vmem_shared>>
      %dma_wait3A_18 = arith.constant 0 : i32
      %dma_wait3A_19 = tpu.memref_slice %arg9[%mul3A_2, %dma_wait3A_18] : memref<10000x16xf32, #tpu.memory_space<vmem_shared>> -> memref<625x16xf32, #tpu.memory_space<vmem_shared>>
      tpu.wait_dma2 semaphore(%run_scoped3A_13 : memref<!tpu.dma_semaphore, #tpu.memory_space<semaphore_mem>>) src(%arg8 : memref<625x16xf32, #tpu.memory_space<vmem>>) dst(%dma_wait3A_19 : memref<625x16xf32, #tpu.memory_space<vmem_shared>>)
      tpu.yield
    }) : () -> ()
    %barrier3A = arith.constant 0 : index
    tpu.barrier barrier_id(%barrier3A)
    %scan3A = arith.constant 0 : i32
    %scan3A_3 = arith.constant 0 : i32
    %scan3A_4 = arith.constant 80 : i32
    %scan3A_5 = arith.addi %scan3A_3, %scan3A_4 : i32
    %scan3A_6 = arith.constant 1 : i32
    scf.for %scan3A_13 = %scan3A_3 to %scan3A_5 step %scan3A_6  : i32 {
      "tpu.region"() ({
        %run_scoped3A_14 = tpu.sem_alloc : memref<!tpu.dma_semaphore, #tpu.memory_space<semaphore_mem>>
        %dma_start3A = arith.constant 0 : i32
        %dma_start3A_15 = tpu.memref_slice %arg6[%scan3A_13, %dma_start3A] : memref<80x125xi32, #tpu.memory_space<vmem>> -> memref<1x125xi32, #tpu.memory_space<vmem>>
        %dma_start3A_16 = tpu.memref_squeeze %dma_start3A_15 : memref<1x125xi32, #tpu.memory_space<vmem>> -> memref<125xi32, #tpu.memory_space<vmem>>
        %dma_start3A_17 = arith.constant 0 : i32
        %dma_start3A_18 = arith.constant 0 : i32
        %dma_start3A_19 = tpu.memref_slice %arg9[%dma_start3A_17, %dma_start3A_18] : memref<10000x16xf32, #tpu.memory_space<vmem_shared>> -> memref<10000x16xf32, #tpu.memory_space<vmem_shared>>
        tpu.enqueue_indirect_dma source(%arg7 : memref<125x16xf32, #tpu.memory_space<vmem>>) target(%dma_start3A_19 : memref<10000x16xf32, #tpu.memory_space<vmem_shared>>) offsets(%dma_start3A_16 : memref<125xi32, #tpu.memory_space<vmem>>) semaphore(%run_scoped3A_14 : memref<!tpu.dma_semaphore, #tpu.memory_space<semaphore_mem>>) {add = true}
        %dma_wait3A = arith.constant 0 : i32
        %dma_wait3A_20 = tpu.memref_slice %arg6[%scan3A_13, %dma_wait3A] : memref<80x125xi32, #tpu.memory_space<vmem>> -> memref<1x125xi32, #tpu.memory_space<vmem>>
        %dma_wait3A_21 = tpu.memref_squeeze %dma_wait3A_20 : memref<1x125xi32, #tpu.memory_space<vmem>> -> memref<125xi32, #tpu.memory_space<vmem>>
        %dma_wait3A_22 = arith.constant 0 : i32
        %dma_wait3A_23 = arith.constant 0 : i32
        %dma_wait3A_24 = tpu.memref_slice %arg9[%dma_wait3A_22, %dma_wait3A_23] : memref<10000x16xf32, #tpu.memory_space<vmem_shared>> -> memref<10000x16xf32, #tpu.memory_space<vmem_shared>>
        tpu.wait_indirect_dma semaphore(%run_scoped3A_14 : memref<!tpu.dma_semaphore, #tpu.memory_space<semaphore_mem>>) src(%arg7 : memref<125x16xf32, #tpu.memory_space<vmem>>) dst(%dma_wait3A_24 : memref<10000x16xf32, #tpu.memory_space<vmem_shared>>)
        tpu.yield
      }) : () -> ()
    }
    %scan3A_7 = arith.constant 80 : i32
    %barrier3A_8 = arith.constant 0 : index
    tpu.barrier barrier_id(%barrier3A_8)
    %mul3A_9 = arith.constant 625 : i32
    %mul3A_10 = arith.muli %arg1, %mul3A_9 : i32
    %mul3A_11 = arith.constant 625 : i32
    %mul3A_12 = arith.muli %arg1, %mul3A_11 : i32
    "tpu.region"() ({
      %run_scoped3A_13 = tpu.sem_alloc : memref<!tpu.dma_semaphore, #tpu.memory_space<semaphore_mem>>
      %dma_start3A = arith.constant 0 : i32
      %dma_start3A_14 = tpu.memref_slice %arg5[%arg0, %mul3A_12, %dma_start3A] : memref<2x10000x128xf32, #tpu.memory_space<hbm>> -> memref<1x625x16xf32, #tpu.memory_space<hbm>>
      %dma_start3A_15 = tpu.memref_squeeze %dma_start3A_14 : memref<1x625x16xf32, #tpu.memory_space<hbm>> -> memref<625x16xf32, #tpu.memory_space<hbm>>
      %dma_start3A_16 = arith.constant 0 : i32
      %dma_start3A_17 = tpu.memref_slice %arg9[%mul3A_10, %dma_start3A_16] : memref<10000x16xf32, #tpu.memory_space<vmem_shared>> -> memref<625x16xf32, #tpu.memory_space<vmem_shared>>
      tpu.enqueue_dma source(%dma_start3A_17 : memref<625x16xf32, #tpu.memory_space<vmem_shared>>) target(%dma_start3A_15 : memref<625x16xf32, #tpu.memory_space<hbm>>) target_semaphore(%run_scoped3A_13 : memref<!tpu.dma_semaphore, #tpu.memory_space<semaphore_mem>>)
      %dma_wait3A = arith.constant 0 : i32
      %dma_wait3A_18 = tpu.memref_slice %arg5[%arg0, %mul3A_12, %dma_wait3A] : memref<2x10000x128xf32, #tpu.memory_space<hbm>> -> memref<1x625x16xf32, #tpu.memory_space<hbm>>
      %dma_wait3A_19 = tpu.memref_squeeze %dma_wait3A_18 : memref<1x625x16xf32, #tpu.memory_space<hbm>> -> memref<625x16xf32, #tpu.memory_space<hbm>>
      %dma_wait3A_20 = arith.constant 0 : i32
      %dma_wait3A_21 = tpu.memref_slice %arg9[%mul3A_10, %dma_wait3A_20] : memref<10000x16xf32, #tpu.memory_space<vmem_shared>> -> memref<625x16xf32, #tpu.memory_space<vmem_shared>>
      tpu.wait_dma2 semaphore(%run_scoped3A_13 : memref<!tpu.dma_semaphore, #tpu.memory_space<semaphore_mem>>) src(%dma_wait3A_21 : memref<625x16xf32, #tpu.memory_space<vmem_shared>>) dst(%dma_wait3A_19 : memref<625x16xf32, #tpu.memory_space<hbm>>)
      tpu.yield
    }) : () -> ()
    return
  }
}

#map = affine_map<(d0, d1) -> (0, 0)>
#map1 = affine_map<(d0, d1) -> (0, 0, 0, 0)>
#map2 = affine_map<(d0, d1) -> (0, 0, 0)>
module attributes {stable_mosaic.version = 14 : i64} {
  func.func @_agg_kernel(%arg0: i32, %arg1: i32, %arg2: memref<20000x64xf32, #tpu.memory_space<hbm>>, %arg3: memref<2x32x80x125xi32, #tpu.memory_space<hbm>>, %arg4: memref<125x64xf32, #tpu.memory_space<hbm>>, %arg5: memref<2x10000x128xf32, #tpu.memory_space<hbm>>, %arg6: memref<80x125xi32, #tpu.memory_space<vmem>>, %arg7: memref<80x125xi32, #tpu.memory_space<vmem>>, %arg8: memref<125x64xf32, #tpu.memory_space<vmem>>, %arg9: memref<125x64xf32, #tpu.memory_space<vmem>>, %arg10: memref<125x64xf32, #tpu.memory_space<vmem>>, %arg11: memref<125x64xf32, #tpu.memory_space<vmem>>, %arg12: memref<125x64xf32, #tpu.memory_space<vmem>>, %arg13: memref<10000x64xf32, #tpu.memory_space<vmem_shared>>, %arg14: memref<!tpu.dma_semaphore, #tpu.memory_space<semaphore_mem>>, %arg15: memref<!tpu.dma_semaphore, #tpu.memory_space<semaphore_mem>>, %arg16: memref<!tpu.dma_semaphore, #tpu.memory_space<semaphore_mem>>, %arg17: memref<!tpu.dma_semaphore, #tpu.memory_space<semaphore_mem>>, %arg18: memref<!tpu.dma_semaphore, #tpu.memory_space<semaphore_mem>>, %arg19: memref<!tpu.dma_semaphore, #tpu.memory_space<semaphore_mem>>, %arg20: memref<!tpu.dma_semaphore, #tpu.memory_space<semaphore_mem>>, %arg21: memref<!tpu.dma_semaphore, #tpu.memory_space<semaphore_mem>>) attributes {dimension_semantics = [#tpu.dimension_semantics<core_parallel>, #tpu.dimension_semantics<subcore_parallel>], iteration_bounds = array<i64: 2, 16>, scalar_prefetch = 0 : i64, scratch_operands = 16 : i64, tpu.core_type = #tpu.core_type<sc_vector_subcore>, window_params = [{transform_indices = #map}, {transform_indices = #map1}, {transform_indices = #map}, {transform_indices = #map2}]} {
    %mul3A = arith.constant 16 : i32
    %mul3A_0 = arith.muli %arg0, %mul3A : i32
    %add3A = arith.addi %mul3A_0, %arg1 : i32
    %run_scoped3A = arith.constant 0 : i32
    "tpu.region"() ({
      %run_scoped3A_62 = tpu.sem_alloc : memref<!tpu.dma_semaphore, #tpu.memory_space<semaphore_mem>>
      %dma_start3A_63 = arith.constant 0 : i32
      %dma_start3A_64 = arith.constant 0 : i32
      %dma_start3A_65 = tpu.memref_slice %arg3[%run_scoped3A, %add3A, %dma_start3A_63, %dma_start3A_64] : memref<2x32x80x125xi32, #tpu.memory_space<hbm>> -> memref<1x1x80x125xi32, #tpu.memory_space<hbm>>
      %dma_start3A_66 = tpu.memref_squeeze %dma_start3A_65 : memref<1x1x80x125xi32, #tpu.memory_space<hbm>> -> memref<80x125xi32, #tpu.memory_space<hbm>>
      %dma_start3A_67 = arith.constant 0 : i32
      %dma_start3A_68 = arith.constant 0 : i32
      %dma_start3A_69 = tpu.memref_slice %arg3[%run_scoped3A, %add3A, %dma_start3A_67, %dma_start3A_68] : memref<2x32x80x125xi32, #tpu.memory_space<hbm>> -> memref<1x1x80x125xi32, #tpu.memory_space<hbm>>
      %dma_start3A_70 = tpu.memref_squeeze %dma_start3A_69 : memref<1x1x80x125xi32, #tpu.memory_space<hbm>> -> memref<80x125xi32, #tpu.memory_space<hbm>>
      tpu.enqueue_dma source(%dma_start3A_70 : memref<80x125xi32, #tpu.memory_space<hbm>>) target(%arg6 : memref<80x125xi32, #tpu.memory_space<vmem>>) target_semaphore(%run_scoped3A_62 : memref<!tpu.dma_semaphore, #tpu.memory_space<semaphore_mem>>)
      %dma_wait3A = arith.constant 0 : i32
      %dma_wait3A_71 = arith.constant 0 : i32
      %dma_wait3A_72 = tpu.memref_slice %arg3[%run_scoped3A, %add3A, %dma_wait3A, %dma_wait3A_71] : memref<2x32x80x125xi32, #tpu.memory_space<hbm>> -> memref<1x1x80x125xi32, #tpu.memory_space<hbm>>
      %dma_wait3A_73 = tpu.memref_squeeze %dma_wait3A_72 : memref<1x1x80x125xi32, #tpu.memory_space<hbm>> -> memref<80x125xi32, #tpu.memory_space<hbm>>
      %dma_wait3A_74 = arith.constant 0 : i32
      %dma_wait3A_75 = arith.constant 0 : i32
      %dma_wait3A_76 = tpu.memref_slice %arg3[%run_scoped3A, %add3A, %dma_wait3A_74, %dma_wait3A_75] : memref<2x32x80x125xi32, #tpu.memory_space<hbm>> -> memref<1x1x80x125xi32, #tpu.memory_space<hbm>>
      %dma_wait3A_77 = tpu.memref_squeeze %dma_wait3A_76 : memref<1x1x80x125xi32, #tpu.memory_space<hbm>> -> memref<80x125xi32, #tpu.memory_space<hbm>>
      tpu.wait_dma2 semaphore(%run_scoped3A_62 : memref<!tpu.dma_semaphore, #tpu.memory_space<semaphore_mem>>) src(%dma_wait3A_77 : memref<80x125xi32, #tpu.memory_space<hbm>>) dst(%arg6 : memref<80x125xi32, #tpu.memory_space<vmem>>)
      tpu.yield
    }) : () -> ()
    %mul3A_1 = arith.constant 16 : i32
    %mul3A_2 = arith.muli %arg0, %mul3A_1 : i32
    %add3A_3 = arith.addi %mul3A_2, %arg1 : i32
    %run_scoped3A_4 = arith.constant 1 : i32
    "tpu.region"() ({
      %run_scoped3A_62 = tpu.sem_alloc : memref<!tpu.dma_semaphore, #tpu.memory_space<semaphore_mem>>
      %dma_start3A_63 = arith.constant 0 : i32
      %dma_start3A_64 = arith.constant 0 : i32
      %dma_start3A_65 = tpu.memref_slice %arg3[%run_scoped3A_4, %add3A_3, %dma_start3A_63, %dma_start3A_64] : memref<2x32x80x125xi32, #tpu.memory_space<hbm>> -> memref<1x1x80x125xi32, #tpu.memory_space<hbm>>
      %dma_start3A_66 = tpu.memref_squeeze %dma_start3A_65 : memref<1x1x80x125xi32, #tpu.memory_space<hbm>> -> memref<80x125xi32, #tpu.memory_space<hbm>>
      %dma_start3A_67 = arith.constant 0 : i32
      %dma_start3A_68 = arith.constant 0 : i32
      %dma_start3A_69 = tpu.memref_slice %arg3[%run_scoped3A_4, %add3A_3, %dma_start3A_67, %dma_start3A_68] : memref<2x32x80x125xi32, #tpu.memory_space<hbm>> -> memref<1x1x80x125xi32, #tpu.memory_space<hbm>>
      %dma_start3A_70 = tpu.memref_squeeze %dma_start3A_69 : memref<1x1x80x125xi32, #tpu.memory_space<hbm>> -> memref<80x125xi32, #tpu.memory_space<hbm>>
      tpu.enqueue_dma source(%dma_start3A_70 : memref<80x125xi32, #tpu.memory_space<hbm>>) target(%arg7 : memref<80x125xi32, #tpu.memory_space<vmem>>) target_semaphore(%run_scoped3A_62 : memref<!tpu.dma_semaphore, #tpu.memory_space<semaphore_mem>>)
      %dma_wait3A = arith.constant 0 : i32
      %dma_wait3A_71 = arith.constant 0 : i32
      %dma_wait3A_72 = tpu.memref_slice %arg3[%run_scoped3A_4, %add3A_3, %dma_wait3A, %dma_wait3A_71] : memref<2x32x80x125xi32, #tpu.memory_space<hbm>> -> memref<1x1x80x125xi32, #tpu.memory_space<hbm>>
      %dma_wait3A_73 = tpu.memref_squeeze %dma_wait3A_72 : memref<1x1x80x125xi32, #tpu.memory_space<hbm>> -> memref<80x125xi32, #tpu.memory_space<hbm>>
      %dma_wait3A_74 = arith.constant 0 : i32
      %dma_wait3A_75 = arith.constant 0 : i32
      %dma_wait3A_76 = tpu.memref_slice %arg3[%run_scoped3A_4, %add3A_3, %dma_wait3A_74, %dma_wait3A_75] : memref<2x32x80x125xi32, #tpu.memory_space<hbm>> -> memref<1x1x80x125xi32, #tpu.memory_space<hbm>>
      %dma_wait3A_77 = tpu.memref_squeeze %dma_wait3A_76 : memref<1x1x80x125xi32, #tpu.memory_space<hbm>> -> memref<80x125xi32, #tpu.memory_space<hbm>>
      tpu.wait_dma2 semaphore(%run_scoped3A_62 : memref<!tpu.dma_semaphore, #tpu.memory_space<semaphore_mem>>) src(%dma_wait3A_77 : memref<80x125xi32, #tpu.memory_space<hbm>>) dst(%arg7 : memref<80x125xi32, #tpu.memory_space<vmem>>)
      tpu.yield
    }) : () -> ()
    "tpu.region"() ({
      %run_scoped3A_62 = tpu.sem_alloc : memref<!tpu.dma_semaphore, #tpu.memory_space<semaphore_mem>>
      tpu.enqueue_dma source(%arg4 : memref<125x64xf32, #tpu.memory_space<hbm>>) target(%arg12 : memref<125x64xf32, #tpu.memory_space<vmem>>) target_semaphore(%run_scoped3A_62 : memref<!tpu.dma_semaphore, #tpu.memory_space<semaphore_mem>>)
      tpu.wait_dma2 semaphore(%run_scoped3A_62 : memref<!tpu.dma_semaphore, #tpu.memory_space<semaphore_mem>>) src(%arg4 : memref<125x64xf32, #tpu.memory_space<hbm>>) dst(%arg12 : memref<125x64xf32, #tpu.memory_space<vmem>>)
      tpu.yield
    }) : () -> ()
    %mul3A_5 = arith.constant 625 : i32
    %mul3A_6 = arith.muli %arg1, %mul3A_5 : i32
    %add3A_7 = arith.constant 0 : i32
    %add3A_8 = arith.addi %mul3A_6, %add3A_7 : i32
    "tpu.region"() ({
      %run_scoped3A_62 = tpu.sem_alloc : memref<!tpu.dma_semaphore, #tpu.memory_space<semaphore_mem>>
      %dma_start3A_63 = arith.constant 0 : i32
      %dma_start3A_64 = tpu.memref_slice %arg13[%add3A_8, %dma_start3A_63] : memref<10000x64xf32, #tpu.memory_space<vmem_shared>> -> memref<125x64xf32, #tpu.memory_space<vmem_shared>>
      %dma_start3A_65 = arith.constant 0 : i32
      %dma_start3A_66 = tpu.memref_slice %arg13[%add3A_8, %dma_start3A_65] : memref<10000x64xf32, #tpu.memory_space<vmem_shared>> -> memref<125x64xf32, #tpu.memory_space<vmem_shared>>
      tpu.enqueue_dma source(%arg12 : memref<125x64xf32, #tpu.memory_space<vmem>>) target(%dma_start3A_66 : memref<125x64xf32, #tpu.memory_space<vmem_shared>>) target_semaphore(%run_scoped3A_62 : memref<!tpu.dma_semaphore, #tpu.memory_space<semaphore_mem>>)
      %dma_wait3A = arith.constant 0 : i32
      %dma_wait3A_67 = tpu.memref_slice %arg13[%add3A_8, %dma_wait3A] : memref<10000x64xf32, #tpu.memory_space<vmem_shared>> -> memref<125x64xf32, #tpu.memory_space<vmem_shared>>
      %dma_wait3A_68 = arith.constant 0 : i32
      %dma_wait3A_69 = tpu.memref_slice %arg13[%add3A_8, %dma_wait3A_68] : memref<10000x64xf32, #tpu.memory_space<vmem_shared>> -> memref<125x64xf32, #tpu.memory_space<vmem_shared>>
      tpu.wait_dma2 semaphore(%run_scoped3A_62 : memref<!tpu.dma_semaphore, #tpu.memory_space<semaphore_mem>>) src(%arg12 : memref<125x64xf32, #tpu.memory_space<vmem>>) dst(%dma_wait3A_69 : memref<125x64xf32, #tpu.memory_space<vmem_shared>>)
      tpu.yield
    }) : () -> ()
    %mul3A_9 = arith.constant 625 : i32
    %mul3A_10 = arith.muli %arg1, %mul3A_9 : i32
    %add3A_11 = arith.constant 125 : i32
    %add3A_12 = arith.addi %mul3A_10, %add3A_11 : i32
    "tpu.region"() ({
      %run_scoped3A_62 = tpu.sem_alloc : memref<!tpu.dma_semaphore, #tpu.memory_space<semaphore_mem>>
      %dma_start3A_63 = arith.constant 0 : i32
      %dma_start3A_64 = tpu.memref_slice %arg13[%add3A_12, %dma_start3A_63] : memref<10000x64xf32, #tpu.memory_space<vmem_shared>> -> memref<125x64xf32, #tpu.memory_space<vmem_shared>>
      %dma_start3A_65 = arith.constant 0 : i32
      %dma_start3A_66 = tpu.memref_slice %arg13[%add3A_12, %dma_start3A_65] : memref<10000x64xf32, #tpu.memory_space<vmem_shared>> -> memref<125x64xf32, #tpu.memory_space<vmem_shared>>
      tpu.enqueue_dma source(%arg12 : memref<125x64xf32, #tpu.memory_space<vmem>>) target(%dma_start3A_66 : memref<125x64xf32, #tpu.memory_space<vmem_shared>>) target_semaphore(%run_scoped3A_62 : memref<!tpu.dma_semaphore, #tpu.memory_space<semaphore_mem>>)
      %dma_wait3A = arith.constant 0 : i32
      %dma_wait3A_67 = tpu.memref_slice %arg13[%add3A_12, %dma_wait3A] : memref<10000x64xf32, #tpu.memory_space<vmem_shared>> -> memref<125x64xf32, #tpu.memory_space<vmem_shared>>
      %dma_wait3A_68 = arith.constant 0 : i32
      %dma_wait3A_69 = tpu.memref_slice %arg13[%add3A_12, %dma_wait3A_68] : memref<10000x64xf32, #tpu.memory_space<vmem_shared>> -> memref<125x64xf32, #tpu.memory_space<vmem_shared>>
      tpu.wait_dma2 semaphore(%run_scoped3A_62 : memref<!tpu.dma_semaphore, #tpu.memory_space<semaphore_mem>>) src(%arg12 : memref<125x64xf32, #tpu.memory_space<vmem>>) dst(%dma_wait3A_69 : memref<125x64xf32, #tpu.memory_space<vmem_shared>>)
      tpu.yield
    }) : () -> ()
    %mul3A_13 = arith.constant 625 : i32
    %mul3A_14 = arith.muli %arg1, %mul3A_13 : i32
    %add3A_15 = arith.constant 250 : i32
    %add3A_16 = arith.addi %mul3A_14, %add3A_15 : i32
    "tpu.region"() ({
      %run_scoped3A_62 = tpu.sem_alloc : memref<!tpu.dma_semaphore, #tpu.memory_space<semaphore_mem>>
      %dma_start3A_63 = arith.constant 0 : i32
      %dma_start3A_64 = tpu.memref_slice %arg13[%add3A_16, %dma_start3A_63] : memref<10000x64xf32, #tpu.memory_space<vmem_shared>> -> memref<125x64xf32, #tpu.memory_space<vmem_shared>>
      %dma_start3A_65 = arith.constant 0 : i32
      %dma_start3A_66 = tpu.memref_slice %arg13[%add3A_16, %dma_start3A_65] : memref<10000x64xf32, #tpu.memory_space<vmem_shared>> -> memref<125x64xf32, #tpu.memory_space<vmem_shared>>
      tpu.enqueue_dma source(%arg12 : memref<125x64xf32, #tpu.memory_space<vmem>>) target(%dma_start3A_66 : memref<125x64xf32, #tpu.memory_space<vmem_shared>>) target_semaphore(%run_scoped3A_62 : memref<!tpu.dma_semaphore, #tpu.memory_space<semaphore_mem>>)
      %dma_wait3A = arith.constant 0 : i32
      %dma_wait3A_67 = tpu.memref_slice %arg13[%add3A_16, %dma_wait3A] : memref<10000x64xf32, #tpu.memory_space<vmem_shared>> -> memref<125x64xf32, #tpu.memory_space<vmem_shared>>
      %dma_wait3A_68 = arith.constant 0 : i32
      %dma_wait3A_69 = tpu.memref_slice %arg13[%add3A_16, %dma_wait3A_68] : memref<10000x64xf32, #tpu.memory_space<vmem_shared>> -> memref<125x64xf32, #tpu.memory_space<vmem_shared>>
      tpu.wait_dma2 semaphore(%run_scoped3A_62 : memref<!tpu.dma_semaphore, #tpu.memory_space<semaphore_mem>>) src(%arg12 : memref<125x64xf32, #tpu.memory_space<vmem>>) dst(%dma_wait3A_69 : memref<125x64xf32, #tpu.memory_space<vmem_shared>>)
      tpu.yield
    }) : () -> ()
    %mul3A_17 = arith.constant 625 : i32
    %mul3A_18 = arith.muli %arg1, %mul3A_17 : i32
    %add3A_19 = arith.constant 375 : i32
    %add3A_20 = arith.addi %mul3A_18, %add3A_19 : i32
    "tpu.region"() ({
      %run_scoped3A_62 = tpu.sem_alloc : memref<!tpu.dma_semaphore, #tpu.memory_space<semaphore_mem>>
      %dma_start3A_63 = arith.constant 0 : i32
      %dma_start3A_64 = tpu.memref_slice %arg13[%add3A_20, %dma_start3A_63] : memref<10000x64xf32, #tpu.memory_space<vmem_shared>> -> memref<125x64xf32, #tpu.memory_space<vmem_shared>>
      %dma_start3A_65 = arith.constant 0 : i32
      %dma_start3A_66 = tpu.memref_slice %arg13[%add3A_20, %dma_start3A_65] : memref<10000x64xf32, #tpu.memory_space<vmem_shared>> -> memref<125x64xf32, #tpu.memory_space<vmem_shared>>
      tpu.enqueue_dma source(%arg12 : memref<125x64xf32, #tpu.memory_space<vmem>>) target(%dma_start3A_66 : memref<125x64xf32, #tpu.memory_space<vmem_shared>>) target_semaphore(%run_scoped3A_62 : memref<!tpu.dma_semaphore, #tpu.memory_space<semaphore_mem>>)
      %dma_wait3A = arith.constant 0 : i32
      %dma_wait3A_67 = tpu.memref_slice %arg13[%add3A_20, %dma_wait3A] : memref<10000x64xf32, #tpu.memory_space<vmem_shared>> -> memref<125x64xf32, #tpu.memory_space<vmem_shared>>
      %dma_wait3A_68 = arith.constant 0 : i32
      %dma_wait3A_69 = tpu.memref_slice %arg13[%add3A_20, %dma_wait3A_68] : memref<10000x64xf32, #tpu.memory_space<vmem_shared>> -> memref<125x64xf32, #tpu.memory_space<vmem_shared>>
      tpu.wait_dma2 semaphore(%run_scoped3A_62 : memref<!tpu.dma_semaphore, #tpu.memory_space<semaphore_mem>>) src(%arg12 : memref<125x64xf32, #tpu.memory_space<vmem>>) dst(%dma_wait3A_69 : memref<125x64xf32, #tpu.memory_space<vmem_shared>>)
      tpu.yield
    }) : () -> ()
    %mul3A_21 = arith.constant 625 : i32
    %mul3A_22 = arith.muli %arg1, %mul3A_21 : i32
    %add3A_23 = arith.constant 500 : i32
    %add3A_24 = arith.addi %mul3A_22, %add3A_23 : i32
    "tpu.region"() ({
      %run_scoped3A_62 = tpu.sem_alloc : memref<!tpu.dma_semaphore, #tpu.memory_space<semaphore_mem>>
      %dma_start3A_63 = arith.constant 0 : i32
      %dma_start3A_64 = tpu.memref_slice %arg13[%add3A_24, %dma_start3A_63] : memref<10000x64xf32, #tpu.memory_space<vmem_shared>> -> memref<125x64xf32, #tpu.memory_space<vmem_shared>>
      %dma_start3A_65 = arith.constant 0 : i32
      %dma_start3A_66 = tpu.memref_slice %arg13[%add3A_24, %dma_start3A_65] : memref<10000x64xf32, #tpu.memory_space<vmem_shared>> -> memref<125x64xf32, #tpu.memory_space<vmem_shared>>
      tpu.enqueue_dma source(%arg12 : memref<125x64xf32, #tpu.memory_space<vmem>>) target(%dma_start3A_66 : memref<125x64xf32, #tpu.memory_space<vmem_shared>>) target_semaphore(%run_scoped3A_62 : memref<!tpu.dma_semaphore, #tpu.memory_space<semaphore_mem>>)
      %dma_wait3A = arith.constant 0 : i32
      %dma_wait3A_67 = tpu.memref_slice %arg13[%add3A_24, %dma_wait3A] : memref<10000x64xf32, #tpu.memory_space<vmem_shared>> -> memref<125x64xf32, #tpu.memory_space<vmem_shared>>
      %dma_wait3A_68 = arith.constant 0 : i32
      %dma_wait3A_69 = tpu.memref_slice %arg13[%add3A_24, %dma_wait3A_68] : memref<10000x64xf32, #tpu.memory_space<vmem_shared>> -> memref<125x64xf32, #tpu.memory_space<vmem_shared>>
      tpu.wait_dma2 semaphore(%run_scoped3A_62 : memref<!tpu.dma_semaphore, #tpu.memory_space<semaphore_mem>>) src(%arg12 : memref<125x64xf32, #tpu.memory_space<vmem>>) dst(%dma_wait3A_69 : memref<125x64xf32, #tpu.memory_space<vmem_shared>>)
      tpu.yield
    }) : () -> ()
    %barrier3A = arith.constant 0 : index
    tpu.barrier barrier_id(%barrier3A)
    %dma_start3A = arith.constant 0 : i32
    %dma_start3A_25 = arith.constant 0 : i32
    %dma_start3A_26 = tpu.memref_slice %arg6[%dma_start3A, %dma_start3A_25] : memref<80x125xi32, #tpu.memory_space<vmem>> -> memref<1x125xi32, #tpu.memory_space<vmem>>
    %dma_start3A_27 = tpu.memref_squeeze %dma_start3A_26 : memref<1x125xi32, #tpu.memory_space<vmem>> -> memref<125xi32, #tpu.memory_space<vmem>>
    %dma_start3A_28 = arith.constant 0 : i32
    %dma_start3A_29 = arith.constant 0 : i32
    %dma_start3A_30 = tpu.memref_slice %arg2[%dma_start3A_28, %dma_start3A_29] : memref<20000x64xf32, #tpu.memory_space<hbm>> -> memref<20000x64xf32, #tpu.memory_space<hbm>>
    tpu.enqueue_indirect_dma source(%dma_start3A_30 : memref<20000x64xf32, #tpu.memory_space<hbm>>) target(%arg8 : memref<125x64xf32, #tpu.memory_space<vmem>>) offsets(%dma_start3A_27 : memref<125xi32, #tpu.memory_space<vmem>>) semaphore(%arg14 : memref<!tpu.dma_semaphore, #tpu.memory_space<semaphore_mem>>)
    %dma_start3A_31 = arith.constant 1 : i32
    %dma_start3A_32 = arith.constant 0 : i32
    %dma_start3A_33 = tpu.memref_slice %arg6[%dma_start3A_31, %dma_start3A_32] : memref<80x125xi32, #tpu.memory_space<vmem>> -> memref<1x125xi32, #tpu.memory_space<vmem>>
    %dma_start3A_34 = tpu.memref_squeeze %dma_start3A_33 : memref<1x125xi32, #tpu.memory_space<vmem>> -> memref<125xi32, #tpu.memory_space<vmem>>
    %dma_start3A_35 = arith.constant 0 : i32
    %dma_start3A_36 = arith.constant 0 : i32
    %dma_start3A_37 = tpu.memref_slice %arg2[%dma_start3A_35, %dma_start3A_36] : memref<20000x64xf32, #tpu.memory_space<hbm>> -> memref<20000x64xf32, #tpu.memory_space<hbm>>
    tpu.enqueue_indirect_dma source(%dma_start3A_37 : memref<20000x64xf32, #tpu.memory_space<hbm>>) target(%arg9 : memref<125x64xf32, #tpu.memory_space<vmem>>) offsets(%dma_start3A_34 : memref<125xi32, #tpu.memory_space<vmem>>) semaphore(%arg15 : memref<!tpu.dma_semaphore, #tpu.memory_space<semaphore_mem>>)
    %dma_start3A_38 = arith.constant 2 : i32
    %dma_start3A_39 = arith.constant 0 : i32
    %dma_start3A_40 = tpu.memref_slice %arg6[%dma_start3A_38, %dma_start3A_39] : memref<80x125xi32, #tpu.memory_space<vmem>> -> memref<1x125xi32, #tpu.memory_space<vmem>>
    %dma_start3A_41 = tpu.memref_squeeze %dma_start3A_40 : memref<1x125xi32, #tpu.memory_space<vmem>> -> memref<125xi32, #tpu.memory_space<vmem>>
    %dma_start3A_42 = arith.constant 0 : i32
    %dma_start3A_43 = arith.constant 0 : i32
    %dma_start3A_44 = tpu.memref_slice %arg2[%dma_start3A_42, %dma_start3A_43] : memref<20000x64xf32, #tpu.memory_space<hbm>> -> memref<20000x64xf32, #tpu.memory_space<hbm>>
    tpu.enqueue_indirect_dma source(%dma_start3A_44 : memref<20000x64xf32, #tpu.memory_space<hbm>>) target(%arg10 : memref<125x64xf32, #tpu.memory_space<vmem>>) offsets(%dma_start3A_41 : memref<125xi32, #tpu.memory_space<vmem>>) semaphore(%arg16 : memref<!tpu.dma_semaphore, #tpu.memory_space<semaphore_mem>>)
    %dma_start3A_45 = arith.constant 3 : i32
    %dma_start3A_46 = arith.constant 0 : i32
    %dma_start3A_47 = tpu.memref_slice %arg6[%dma_start3A_45, %dma_start3A_46] : memref<80x125xi32, #tpu.memory_space<vmem>> -> memref<1x125xi32, #tpu.memory_space<vmem>>
    %dma_start3A_48 = tpu.memref_squeeze %dma_start3A_47 : memref<1x125xi32, #tpu.memory_space<vmem>> -> memref<125xi32, #tpu.memory_space<vmem>>
    %dma_start3A_49 = arith.constant 0 : i32
    %dma_start3A_50 = arith.constant 0 : i32
    %dma_start3A_51 = tpu.memref_slice %arg2[%dma_start3A_49, %dma_start3A_50] : memref<20000x64xf32, #tpu.memory_space<hbm>> -> memref<20000x64xf32, #tpu.memory_space<hbm>>
    tpu.enqueue_indirect_dma source(%dma_start3A_51 : memref<20000x64xf32, #tpu.memory_space<hbm>>) target(%arg11 : memref<125x64xf32, #tpu.memory_space<vmem>>) offsets(%dma_start3A_48 : memref<125xi32, #tpu.memory_space<vmem>>) semaphore(%arg17 : memref<!tpu.dma_semaphore, #tpu.memory_space<semaphore_mem>>)
    %scan3A = arith.constant 0 : i32
    %scan3A_52 = arith.constant 0 : i32
    %scan3A_53 = arith.constant 20 : i32
    %scan3A_54 = arith.addi %scan3A_52, %scan3A_53 : i32
    %scan3A_55 = arith.constant 1 : i32
    scf.for %scan3A_62 = %scan3A_52 to %scan3A_54 step %scan3A_55  : i32 {
      %mul3A_63 = arith.constant 4 : i32
      %mul3A_64 = arith.muli %mul3A_63, %scan3A_62 : i32
      %add3A_65 = arith.constant 0 : i32
      %add3A_66 = arith.addi %mul3A_64, %add3A_65 : i32
      %dma_wait3A = arith.constant 0 : i32
      %dma_wait3A_67 = tpu.memref_slice %arg6[%add3A_66, %dma_wait3A] : memref<80x125xi32, #tpu.memory_space<vmem>> -> memref<1x125xi32, #tpu.memory_space<vmem>>
      %dma_wait3A_68 = tpu.memref_squeeze %dma_wait3A_67 : memref<1x125xi32, #tpu.memory_space<vmem>> -> memref<125xi32, #tpu.memory_space<vmem>>
      %dma_wait3A_69 = arith.constant 0 : i32
      %dma_wait3A_70 = arith.constant 0 : i32
      %dma_wait3A_71 = tpu.memref_slice %arg2[%dma_wait3A_69, %dma_wait3A_70] : memref<20000x64xf32, #tpu.memory_space<hbm>> -> memref<20000x64xf32, #tpu.memory_space<hbm>>
      tpu.wait_indirect_dma semaphore(%arg14 : memref<!tpu.dma_semaphore, #tpu.memory_space<semaphore_mem>>) src(%dma_wait3A_71 : memref<20000x64xf32, #tpu.memory_space<hbm>>) dst(%arg8 : memref<125x64xf32, #tpu.memory_space<vmem>>)
      %add3A_72 = arith.constant 0 : i32
      %add3A_73 = arith.addi %mul3A_64, %add3A_72 : i32
      %dma_start3A_74 = arith.constant 0 : i32
      %dma_start3A_75 = tpu.memref_slice %arg7[%add3A_73, %dma_start3A_74] : memref<80x125xi32, #tpu.memory_space<vmem>> -> memref<1x125xi32, #tpu.memory_space<vmem>>
      %dma_start3A_76 = tpu.memref_squeeze %dma_start3A_75 : memref<1x125xi32, #tpu.memory_space<vmem>> -> memref<125xi32, #tpu.memory_space<vmem>>
      %dma_start3A_77 = arith.constant 0 : i32
      %dma_start3A_78 = arith.constant 0 : i32
      %dma_start3A_79 = tpu.memref_slice %arg13[%dma_start3A_77, %dma_start3A_78] : memref<10000x64xf32, #tpu.memory_space<vmem_shared>> -> memref<10000x64xf32, #tpu.memory_space<vmem_shared>>
      tpu.enqueue_indirect_dma source(%arg8 : memref<125x64xf32, #tpu.memory_space<vmem>>) target(%dma_start3A_79 : memref<10000x64xf32, #tpu.memory_space<vmem_shared>>) offsets(%dma_start3A_76 : memref<125xi32, #tpu.memory_space<vmem>>) semaphore(%arg18 : memref<!tpu.dma_semaphore, #tpu.memory_space<semaphore_mem>>) {add = true}
      %add3A_80 = arith.constant 1 : i32
      %add3A_81 = arith.addi %mul3A_64, %add3A_80 : i32
      %dma_wait3A_82 = arith.constant 0 : i32
      %dma_wait3A_83 = tpu.memref_slice %arg6[%add3A_81, %dma_wait3A_82] : memref<80x125xi32, #tpu.memory_space<vmem>> -> memref<1x125xi32, #tpu.memory_space<vmem>>
      %dma_wait3A_84 = tpu.memref_squeeze %dma_wait3A_83 : memref<1x125xi32, #tpu.memory_space<vmem>> -> memref<125xi32, #tpu.memory_space<vmem>>
      %dma_wait3A_85 = arith.constant 0 : i32
      %dma_wait3A_86 = arith.constant 0 : i32
      %dma_wait3A_87 = tpu.memref_slice %arg2[%dma_wait3A_85, %dma_wait3A_86] : memref<20000x64xf32, #tpu.memory_space<hbm>> -> memref<20000x64xf32, #tpu.memory_space<hbm>>
      tpu.wait_indirect_dma semaphore(%arg15 : memref<!tpu.dma_semaphore, #tpu.memory_space<semaphore_mem>>) src(%dma_wait3A_87 : memref<20000x64xf32, #tpu.memory_space<hbm>>) dst(%arg9 : memref<125x64xf32, #tpu.memory_space<vmem>>)
      %add3A_88 = arith.constant 1 : i32
      %add3A_89 = arith.addi %mul3A_64, %add3A_88 : i32
      %dma_start3A_90 = arith.constant 0 : i32
      %dma_start3A_91 = tpu.memref_slice %arg7[%add3A_89, %dma_start3A_90] : memref<80x125xi32, #tpu.memory_space<vmem>> -> memref<1x125xi32, #tpu.memory_space<vmem>>
      %dma_start3A_92 = tpu.memref_squeeze %dma_start3A_91 : memref<1x125xi32, #tpu.memory_space<vmem>> -> memref<125xi32, #tpu.memory_space<vmem>>
      %dma_start3A_93 = arith.constant 0 : i32
      %dma_start3A_94 = arith.constant 0 : i32
      %dma_start3A_95 = tpu.memref_slice %arg13[%dma_start3A_93, %dma_start3A_94] : memref<10000x64xf32, #tpu.memory_space<vmem_shared>> -> memref<10000x64xf32, #tpu.memory_space<vmem_shared>>
      tpu.enqueue_indirect_dma source(%arg9 : memref<125x64xf32, #tpu.memory_space<vmem>>) target(%dma_start3A_95 : memref<10000x64xf32, #tpu.memory_space<vmem_shared>>) offsets(%dma_start3A_92 : memref<125xi32, #tpu.memory_space<vmem>>) semaphore(%arg19 : memref<!tpu.dma_semaphore, #tpu.memory_space<semaphore_mem>>) {add = true}
      %add3A_96 = arith.constant 2 : i32
      %add3A_97 = arith.addi %mul3A_64, %add3A_96 : i32
      %dma_wait3A_98 = arith.constant 0 : i32
      %dma_wait3A_99 = tpu.memref_slice %arg6[%add3A_97, %dma_wait3A_98] : memref<80x125xi32, #tpu.memory_space<vmem>> -> memref<1x125xi32, #tpu.memory_space<vmem>>
      %dma_wait3A_100 = tpu.memref_squeeze %dma_wait3A_99 : memref<1x125xi32, #tpu.memory_space<vmem>> -> memref<125xi32, #tpu.memory_space<vmem>>
      %dma_wait3A_101 = arith.constant 0 : i32
      %dma_wait3A_102 = arith.constant 0 : i32
      %dma_wait3A_103 = tpu.memref_slice %arg2[%dma_wait3A_101, %dma_wait3A_102] : memref<20000x64xf32, #tpu.memory_space<hbm>> -> memref<20000x64xf32, #tpu.memory_space<hbm>>
      tpu.wait_indirect_dma semaphore(%arg16 : memref<!tpu.dma_semaphore, #tpu.memory_space<semaphore_mem>>) src(%dma_wait3A_103 : memref<20000x64xf32, #tpu.memory_space<hbm>>) dst(%arg10 : memref<125x64xf32, #tpu.memory_space<vmem>>)
      %add3A_104 = arith.constant 2 : i32
      %add3A_105 = arith.addi %mul3A_64, %add3A_104 : i32
      %dma_start3A_106 = arith.constant 0 : i32
      %dma_start3A_107 = tpu.memref_slice %arg7[%add3A_105, %dma_start3A_106] : memref<80x125xi32, #tpu.memory_space<vmem>> -> memref<1x125xi32, #tpu.memory_space<vmem>>
      %dma_start3A_108 = tpu.memref_squeeze %dma_start3A_107 : memref<1x125xi32, #tpu.memory_space<vmem>> -> memref<125xi32, #tpu.memory_space<vmem>>
      %dma_start3A_109 = arith.constant 0 : i32
      %dma_start3A_110 = arith.constant 0 : i32
      %dma_start3A_111 = tpu.memref_slice %arg13[%dma_start3A_109, %dma_start3A_110] : memref<10000x64xf32, #tpu.memory_space<vmem_shared>> -> memref<10000x64xf32, #tpu.memory_space<vmem_shared>>
      tpu.enqueue_indirect_dma source(%arg10 : memref<125x64xf32, #tpu.memory_space<vmem>>) target(%dma_start3A_111 : memref<10000x64xf32, #tpu.memory_space<vmem_shared>>) offsets(%dma_start3A_108 : memref<125xi32, #tpu.memory_space<vmem>>) semaphore(%arg20 : memref<!tpu.dma_semaphore, #tpu.memory_space<semaphore_mem>>) {add = true}
      %add3A_112 = arith.constant 3 : i32
      %add3A_113 = arith.addi %mul3A_64, %add3A_112 : i32
      %dma_wait3A_114 = arith.constant 0 : i32
      %dma_wait3A_115 = tpu.memref_slice %arg6[%add3A_113, %dma_wait3A_114] : memref<80x125xi32, #tpu.memory_space<vmem>> -> memref<1x125xi32, #tpu.memory_space<vmem>>
      %dma_wait3A_116 = tpu.memref_squeeze %dma_wait3A_115 : memref<1x125xi32, #tpu.memory_space<vmem>> -> memref<125xi32, #tpu.memory_space<vmem>>
      %dma_wait3A_117 = arith.constant 0 : i32
      %dma_wait3A_118 = arith.constant 0 : i32
      %dma_wait3A_119 = tpu.memref_slice %arg2[%dma_wait3A_117, %dma_wait3A_118] : memref<20000x64xf32, #tpu.memory_space<hbm>> -> memref<20000x64xf32, #tpu.memory_space<hbm>>
      tpu.wait_indirect_dma semaphore(%arg17 : memref<!tpu.dma_semaphore, #tpu.memory_space<semaphore_mem>>) src(%dma_wait3A_119 : memref<20000x64xf32, #tpu.memory_space<hbm>>) dst(%arg11 : memref<125x64xf32, #tpu.memory_space<vmem>>)
      %add3A_120 = arith.constant 3 : i32
      %add3A_121 = arith.addi %mul3A_64, %add3A_120 : i32
      %dma_start3A_122 = arith.constant 0 : i32
      %dma_start3A_123 = tpu.memref_slice %arg7[%add3A_121, %dma_start3A_122] : memref<80x125xi32, #tpu.memory_space<vmem>> -> memref<1x125xi32, #tpu.memory_space<vmem>>
      %dma_start3A_124 = tpu.memref_squeeze %dma_start3A_123 : memref<1x125xi32, #tpu.memory_space<vmem>> -> memref<125xi32, #tpu.memory_space<vmem>>
      %dma_start3A_125 = arith.constant 0 : i32
      %dma_start3A_126 = arith.constant 0 : i32
      %dma_start3A_127 = tpu.memref_slice %arg13[%dma_start3A_125, %dma_start3A_126] : memref<10000x64xf32, #tpu.memory_space<vmem_shared>> -> memref<10000x64xf32, #tpu.memory_space<vmem_shared>>
      tpu.enqueue_indirect_dma source(%arg11 : memref<125x64xf32, #tpu.memory_space<vmem>>) target(%dma_start3A_127 : memref<10000x64xf32, #tpu.memory_space<vmem_shared>>) offsets(%dma_start3A_124 : memref<125xi32, #tpu.memory_space<vmem>>) semaphore(%arg21 : memref<!tpu.dma_semaphore, #tpu.memory_space<semaphore_mem>>) {add = true}
      %add3A_128 = arith.constant 0 : i32
      %add3A_129 = arith.addi %mul3A_64, %add3A_128 : i32
      %dma_wait3A_130 = arith.constant 0 : i32
      %dma_wait3A_131 = tpu.memref_slice %arg7[%add3A_129, %dma_wait3A_130] : memref<80x125xi32, #tpu.memory_space<vmem>> -> memref<1x125xi32, #tpu.memory_space<vmem>>
      %dma_wait3A_132 = tpu.memref_squeeze %dma_wait3A_131 : memref<1x125xi32, #tpu.memory_space<vmem>> -> memref<125xi32, #tpu.memory_space<vmem>>
      %dma_wait3A_133 = arith.constant 0 : i32
      %dma_wait3A_134 = arith.constant 0 : i32
      %dma_wait3A_135 = tpu.memref_slice %arg13[%dma_wait3A_133, %dma_wait3A_134] : memref<10000x64xf32, #tpu.memory_space<vmem_shared>> -> memref<10000x64xf32, #tpu.memory_space<vmem_shared>>
      tpu.wait_indirect_dma semaphore(%arg18 : memref<!tpu.dma_semaphore, #tpu.memory_space<semaphore_mem>>) src(%arg8 : memref<125x64xf32, #tpu.memory_space<vmem>>) dst(%dma_wait3A_135 : memref<10000x64xf32, #tpu.memory_space<vmem_shared>>)
      %add3A_136 = arith.constant 4 : i32
      %add3A_137 = arith.addi %mul3A_64, %add3A_136 : i32
      %add3A_138 = arith.constant 0 : i32
      %add3A_139 = arith.addi %add3A_137, %add3A_138 : i32
      %lt3A = arith.constant 80 : i32
      %lt3A_140 = arith.cmpi slt, %add3A_139, %lt3A : i32
      %convert_element_type3A = arith.extui %lt3A_140 : i1 to i32
      %cond3A = arith.constant 0 : i32
      %cond3A_141 = arith.cmpi ne, %convert_element_type3A, %cond3A : i32
      scf.if %cond3A_141 {
        %add3A_193 = arith.constant 4 : i32
        %add3A_194 = arith.addi %mul3A_64, %add3A_193 : i32
        %add3A_195 = arith.constant 0 : i32
        %add3A_196 = arith.addi %add3A_194, %add3A_195 : i32
        %dma_start3A_197 = arith.constant 0 : i32
        %dma_start3A_198 = tpu.memref_slice %arg6[%add3A_196, %dma_start3A_197] : memref<80x125xi32, #tpu.memory_space<vmem>> -> memref<1x125xi32, #tpu.memory_space<vmem>>
        %dma_start3A_199 = tpu.memref_squeeze %dma_start3A_198 : memref<1x125xi32, #tpu.memory_space<vmem>> -> memref<125xi32, #tpu.memory_space<vmem>>
        %dma_start3A_200 = arith.constant 0 : i32
        %dma_start3A_201 = arith.constant 0 : i32
        %dma_start3A_202 = tpu.memref_slice %arg2[%dma_start3A_200, %dma_start3A_201] : memref<20000x64xf32, #tpu.memory_space<hbm>> -> memref<20000x64xf32, #tpu.memory_space<hbm>>
        tpu.enqueue_indirect_dma source(%dma_start3A_202 : memref<20000x64xf32, #tpu.memory_space<hbm>>) target(%arg8 : memref<125x64xf32, #tpu.memory_space<vmem>>) offsets(%dma_start3A_199 : memref<125xi32, #tpu.memory_space<vmem>>) semaphore(%arg14 : memref<!tpu.dma_semaphore, #tpu.memory_space<semaphore_mem>>)
      } else {
      }
      %add3A_142 = arith.constant 1 : i32
      %add3A_143 = arith.addi %mul3A_64, %add3A_142 : i32
      %dma_wait3A_144 = arith.constant 0 : i32
      %dma_wait3A_145 = tpu.memref_slice %arg7[%add3A_143, %dma_wait3A_144] : memref<80x125xi32, #tpu.memory_space<vmem>> -> memref<1x125xi32, #tpu.memory_space<vmem>>
      %dma_wait3A_146 = tpu.memref_squeeze %dma_wait3A_145 : memref<1x125xi32, #tpu.memory_space<vmem>> -> memref<125xi32, #tpu.memory_space<vmem>>
      %dma_wait3A_147 = arith.constant 0 : i32
      %dma_wait3A_148 = arith.constant 0 : i32
      %dma_wait3A_149 = tpu.memref_slice %arg13[%dma_wait3A_147, %dma_wait3A_148] : memref<10000x64xf32, #tpu.memory_space<vmem_shared>> -> memref<10000x64xf32, #tpu.memory_space<vmem_shared>>
      tpu.wait_indirect_dma semaphore(%arg19 : memref<!tpu.dma_semaphore, #tpu.memory_space<semaphore_mem>>) src(%arg9 : memref<125x64xf32, #tpu.memory_space<vmem>>) dst(%dma_wait3A_149 : memref<10000x64xf32, #tpu.memory_space<vmem_shared>>)
      %add3A_150 = arith.constant 4 : i32
      %add3A_151 = arith.addi %mul3A_64, %add3A_150 : i32
      %add3A_152 = arith.constant 1 : i32
      %add3A_153 = arith.addi %add3A_151, %add3A_152 : i32
      %lt3A_154 = arith.constant 80 : i32
      %lt3A_155 = arith.cmpi slt, %add3A_153, %lt3A_154 : i32
      %convert_element_type3A_156 = arith.extui %lt3A_155 : i1 to i32
      %cond3A_157 = arith.constant 0 : i32
      %cond3A_158 = arith.cmpi ne, %convert_element_type3A_156, %cond3A_157 : i32
      scf.if %cond3A_158 {
        %add3A_193 = arith.constant 4 : i32
        %add3A_194 = arith.addi %mul3A_64, %add3A_193 : i32
        %add3A_195 = arith.constant 1 : i32
        %add3A_196 = arith.addi %add3A_194, %add3A_195 : i32
        %dma_start3A_197 = arith.constant 0 : i32
        %dma_start3A_198 = tpu.memref_slice %arg6[%add3A_196, %dma_start3A_197] : memref<80x125xi32, #tpu.memory_space<vmem>> -> memref<1x125xi32, #tpu.memory_space<vmem>>
        %dma_start3A_199 = tpu.memref_squeeze %dma_start3A_198 : memref<1x125xi32, #tpu.memory_space<vmem>> -> memref<125xi32, #tpu.memory_space<vmem>>
        %dma_start3A_200 = arith.constant 0 : i32
        %dma_start3A_201 = arith.constant 0 : i32
        %dma_start3A_202 = tpu.memref_slice %arg2[%dma_start3A_200, %dma_start3A_201] : memref<20000x64xf32, #tpu.memory_space<hbm>> -> memref<20000x64xf32, #tpu.memory_space<hbm>>
        tpu.enqueue_indirect_dma source(%dma_start3A_202 : memref<20000x64xf32, #tpu.memory_space<hbm>>) target(%arg9 : memref<125x64xf32, #tpu.memory_space<vmem>>) offsets(%dma_start3A_199 : memref<125xi32, #tpu.memory_space<vmem>>) semaphore(%arg15 : memref<!tpu.dma_semaphore, #tpu.memory_space<semaphore_mem>>)
      } else {
      }
      %add3A_159 = arith.constant 2 : i32
      %add3A_160 = arith.addi %mul3A_64, %add3A_159 : i32
      %dma_wait3A_161 = arith.constant 0 : i32
      %dma_wait3A_162 = tpu.memref_slice %arg7[%add3A_160, %dma_wait3A_161] : memref<80x125xi32, #tpu.memory_space<vmem>> -> memref<1x125xi32, #tpu.memory_space<vmem>>
      %dma_wait3A_163 = tpu.memref_squeeze %dma_wait3A_162 : memref<1x125xi32, #tpu.memory_space<vmem>> -> memref<125xi32, #tpu.memory_space<vmem>>
      %dma_wait3A_164 = arith.constant 0 : i32
      %dma_wait3A_165 = arith.constant 0 : i32
      %dma_wait3A_166 = tpu.memref_slice %arg13[%dma_wait3A_164, %dma_wait3A_165] : memref<10000x64xf32, #tpu.memory_space<vmem_shared>> -> memref<10000x64xf32, #tpu.memory_space<vmem_shared>>
      tpu.wait_indirect_dma semaphore(%arg20 : memref<!tpu.dma_semaphore, #tpu.memory_space<semaphore_mem>>) src(%arg10 : memref<125x64xf32, #tpu.memory_space<vmem>>) dst(%dma_wait3A_166 : memref<10000x64xf32, #tpu.memory_space<vmem_shared>>)
      %add3A_167 = arith.constant 4 : i32
      %add3A_168 = arith.addi %mul3A_64, %add3A_167 : i32
      %add3A_169 = arith.constant 2 : i32
      %add3A_170 = arith.addi %add3A_168, %add3A_169 : i32
      %lt3A_171 = arith.constant 80 : i32
      %lt3A_172 = arith.cmpi slt, %add3A_170, %lt3A_171 : i32
      %convert_element_type3A_173 = arith.extui %lt3A_172 : i1 to i32
      %cond3A_174 = arith.constant 0 : i32
      %cond3A_175 = arith.cmpi ne, %convert_element_type3A_173, %cond3A_174 : i32
      scf.if %cond3A_175 {
        %add3A_193 = arith.constant 4 : i32
        %add3A_194 = arith.addi %mul3A_64, %add3A_193 : i32
        %add3A_195 = arith.constant 2 : i32
        %add3A_196 = arith.addi %add3A_194, %add3A_195 : i32
        %dma_start3A_197 = arith.constant 0 : i32
        %dma_start3A_198 = tpu.memref_slice %arg6[%add3A_196, %dma_start3A_197] : memref<80x125xi32, #tpu.memory_space<vmem>> -> memref<1x125xi32, #tpu.memory_space<vmem>>
        %dma_start3A_199 = tpu.memref_squeeze %dma_start3A_198 : memref<1x125xi32, #tpu.memory_space<vmem>> -> memref<125xi32, #tpu.memory_space<vmem>>
        %dma_start3A_200 = arith.constant 0 : i32
        %dma_start3A_201 = arith.constant 0 : i32
        %dma_start3A_202 = tpu.memref_slice %arg2[%dma_start3A_200, %dma_start3A_201] : memref<20000x64xf32, #tpu.memory_space<hbm>> -> memref<20000x64xf32, #tpu.memory_space<hbm>>
        tpu.enqueue_indirect_dma source(%dma_start3A_202 : memref<20000x64xf32, #tpu.memory_space<hbm>>) target(%arg10 : memref<125x64xf32, #tpu.memory_space<vmem>>) offsets(%dma_start3A_199 : memref<125xi32, #tpu.memory_space<vmem>>) semaphore(%arg16 : memref<!tpu.dma_semaphore, #tpu.memory_space<semaphore_mem>>)
      } else {
      }
      %add3A_176 = arith.constant 3 : i32
      %add3A_177 = arith.addi %mul3A_64, %add3A_176 : i32
      %dma_wait3A_178 = arith.constant 0 : i32
      %dma_wait3A_179 = tpu.memref_slice %arg7[%add3A_177, %dma_wait3A_178] : memref<80x125xi32, #tpu.memory_space<vmem>> -> memref<1x125xi32, #tpu.memory_space<vmem>>
      %dma_wait3A_180 = tpu.memref_squeeze %dma_wait3A_179 : memref<1x125xi32, #tpu.memory_space<vmem>> -> memref<125xi32, #tpu.memory_space<vmem>>
      %dma_wait3A_181 = arith.constant 0 : i32
      %dma_wait3A_182 = arith.constant 0 : i32
      %dma_wait3A_183 = tpu.memref_slice %arg13[%dma_wait3A_181, %dma_wait3A_182] : memref<10000x64xf32, #tpu.memory_space<vmem_shared>> -> memref<10000x64xf32, #tpu.memory_space<vmem_shared>>
      tpu.wait_indirect_dma semaphore(%arg21 : memref<!tpu.dma_semaphore, #tpu.memory_space<semaphore_mem>>) src(%arg11 : memref<125x64xf32, #tpu.memory_space<vmem>>) dst(%dma_wait3A_183 : memref<10000x64xf32, #tpu.memory_space<vmem_shared>>)
      %add3A_184 = arith.constant 4 : i32
      %add3A_185 = arith.addi %mul3A_64, %add3A_184 : i32
      %add3A_186 = arith.constant 3 : i32
      %add3A_187 = arith.addi %add3A_185, %add3A_186 : i32
      %lt3A_188 = arith.constant 80 : i32
      %lt3A_189 = arith.cmpi slt, %add3A_187, %lt3A_188 : i32
      %convert_element_type3A_190 = arith.extui %lt3A_189 : i1 to i32
      %cond3A_191 = arith.constant 0 : i32
      %cond3A_192 = arith.cmpi ne, %convert_element_type3A_190, %cond3A_191 : i32
      scf.if %cond3A_192 {
        %add3A_193 = arith.constant 4 : i32
        %add3A_194 = arith.addi %mul3A_64, %add3A_193 : i32
        %add3A_195 = arith.constant 3 : i32
        %add3A_196 = arith.addi %add3A_194, %add3A_195 : i32
        %dma_start3A_197 = arith.constant 0 : i32
        %dma_start3A_198 = tpu.memref_slice %arg6[%add3A_196, %dma_start3A_197] : memref<80x125xi32, #tpu.memory_space<vmem>> -> memref<1x125xi32, #tpu.memory_space<vmem>>
        %dma_start3A_199 = tpu.memref_squeeze %dma_start3A_198 : memref<1x125xi32, #tpu.memory_space<vmem>> -> memref<125xi32, #tpu.memory_space<vmem>>
        %dma_start3A_200 = arith.constant 0 : i32
        %dma_start3A_201 = arith.constant 0 : i32
        %dma_start3A_202 = tpu.memref_slice %arg2[%dma_start3A_200, %dma_start3A_201] : memref<20000x64xf32, #tpu.memory_space<hbm>> -> memref<20000x64xf32, #tpu.memory_space<hbm>>
        tpu.enqueue_indirect_dma source(%dma_start3A_202 : memref<20000x64xf32, #tpu.memory_space<hbm>>) target(%arg11 : memref<125x64xf32, #tpu.memory_space<vmem>>) offsets(%dma_start3A_199 : memref<125xi32, #tpu.memory_space<vmem>>) semaphore(%arg17 : memref<!tpu.dma_semaphore, #tpu.memory_space<semaphore_mem>>)
      } else {
      }
    }
    %scan3A_56 = arith.constant 20 : i32
    %barrier3A_57 = arith.constant 0 : index
    tpu.barrier barrier_id(%barrier3A_57)
    %mul3A_58 = arith.constant 625 : i32
    %mul3A_59 = arith.muli %arg1, %mul3A_58 : i32
    %mul3A_60 = arith.constant 625 : i32
    %mul3A_61 = arith.muli %arg1, %mul3A_60 : i32
    "tpu.region"() ({
      %run_scoped3A_62 = tpu.sem_alloc : memref<!tpu.dma_semaphore, #tpu.memory_space<semaphore_mem>>
      %dma_start3A_63 = arith.constant 0 : i32
      %dma_start3A_64 = tpu.memref_slice %arg5[%arg0, %mul3A_61, %dma_start3A_63] : memref<2x10000x128xf32, #tpu.memory_space<hbm>> -> memref<1x625x64xf32, #tpu.memory_space<hbm>>
      %dma_start3A_65 = tpu.memref_squeeze %dma_start3A_64 : memref<1x625x64xf32, #tpu.memory_space<hbm>> -> memref<625x64xf32, #tpu.memory_space<hbm>>
      %dma_start3A_66 = arith.constant 0 : i32
      %dma_start3A_67 = tpu.memref_slice %arg13[%mul3A_59, %dma_start3A_66] : memref<10000x64xf32, #tpu.memory_space<vmem_shared>> -> memref<625x64xf32, #tpu.memory_space<vmem_shared>>
      tpu.enqueue_dma source(%dma_start3A_67 : memref<625x64xf32, #tpu.memory_space<vmem_shared>>) target(%dma_start3A_65 : memref<625x64xf32, #tpu.memory_space<hbm>>) target_semaphore(%run_scoped3A_62 : memref<!tpu.dma_semaphore, #tpu.memory_space<semaphore_mem>>)
      %dma_wait3A = arith.constant 0 : i32
      %dma_wait3A_68 = tpu.memref_slice %arg5[%arg0, %mul3A_61, %dma_wait3A] : memref<2x10000x128xf32, #tpu.memory_space<hbm>> -> memref<1x625x64xf32, #tpu.memory_space<hbm>>
      %dma_wait3A_69 = tpu.memref_squeeze %dma_wait3A_68 : memref<1x625x64xf32, #tpu.memory_space<hbm>> -> memref<625x64xf32, #tpu.memory_space<hbm>>
      %dma_wait3A_70 = arith.constant 0 : i32
      %dma_wait3A_71 = tpu.memref_slice %arg13[%mul3A_59, %dma_wait3A_70] : memref<10000x64xf32, #tpu.memory_space<vmem_shared>> -> memref<625x64xf32, #tpu.memory_space<vmem_shared>>
      tpu.wait_dma2 semaphore(%run_scoped3A_62 : memref<!tpu.dma_semaphore, #tpu.memory_space<semaphore_mem>>) src(%dma_wait3A_71 : memref<625x64xf32, #tpu.memory_space<vmem_shared>>) dst(%dma_wait3A_69 : memref<625x64xf32, #tpu.memory_space<hbm>>)
      tpu.yield
    }) : () -> ()
    return
  }
}

module attributes {stable_mosaic.version = 14 : i64} {
  func.func @_tc1_body(%arg0: memref<2x10000x128xf32, #tpu.memory_space<vmem>>, %arg1: memref<10000x128xf32, #tpu.memory_space<vmem>>, %arg2: memref<128x128xf32, #tpu.memory_space<vmem>>, %arg3: memref<10000x128xf32, #tpu.memory_space<vmem>>, %arg4: memref<10000x1xf32, #tpu.memory_space<vmem>>) attributes {dimension_semantics = [], scalar_prefetch = 0 : i64, scratch_operands = 0 : i64, tpu.core_type = #tpu.core_type<tc>} {
    %get3A = arith.constant 0 : index
    %get3A_0 = arith.constant 0 : index
    %get3A_1 = arith.constant 0 : index
    %get3A_2 = vector.load %arg0[%get3A, %get3A_0, %get3A_1] : memref<2x10000x128xf32, #tpu.memory_space<vmem>>, vector<1x10000x128xf32>
    %get3A_3 = vector.shape_cast %get3A_2 : vector<1x10000x128xf32> to vector<10000x128xf32>
    %slice3A = vector.extract_strided_slice %get3A_3 {offsets = [0, 0], sizes = [10000, 1], strides = [1, 1]} : vector<10000x128xf32> to vector<10000x1xf32>
    %get3A_4 = arith.constant 1 : index
    %get3A_5 = arith.constant 0 : index
    %get3A_6 = arith.constant 0 : index
    %get3A_7 = vector.load %arg0[%get3A_4, %get3A_5, %get3A_6] : memref<2x10000x128xf32, #tpu.memory_space<vmem>>, vector<1x10000x128xf32>
    %get3A_8 = vector.shape_cast %get3A_7 : vector<1x10000x128xf32> to vector<10000x128xf32>
    %slice3A_9 = vector.extract_strided_slice %get3A_8 {offsets = [0, 0], sizes = [10000, 1], strides = [1, 1]} : vector<10000x128xf32> to vector<10000x1xf32>
    %add3A = arith.addf %slice3A, %slice3A_9 : vector<10000x1xf32>
    %add3A_10 = arith.constant 1.000000e+00 : f32
    %add3A_11 = vector.broadcast %add3A_10 : f32 to vector<10000x1xf32>
    %add3A_12 = arith.addf %add3A, %add3A_11 : vector<10000x1xf32>
    %rsqrt3A = math.rsqrt %add3A_12 : vector<10000x1xf32>
    %swap3A = arith.constant 0 : index
    %swap3A_13 = arith.constant 0 : index
    %swap3A_14 = vector.load %arg4[%swap3A, %swap3A_13] : memref<10000x1xf32, #tpu.memory_space<vmem>>, vector<10000x1xf32>
    tpu.vector_store %arg4[%swap3A, %swap3A_13], %rsqrt3A {strides = array<i32>} : memref<10000x1xf32, #tpu.memory_space<vmem>>, vector<10000x1xf32>,
    %get3A_15 = arith.constant 0 : index
    %get3A_16 = arith.constant 0 : index
    %get3A_17 = vector.load %arg1[%get3A_15, %get3A_16] : memref<10000x128xf32, #tpu.memory_space<vmem>>, vector<10000x128xf32>
    %get3A_18 = arith.constant 0 : index
    %get3A_19 = arith.constant 0 : index
    %get3A_20 = vector.load %arg2[%get3A_18, %get3A_19] : memref<128x128xf32, #tpu.memory_space<vmem>>, vector<128x128xf32>
    %dot_general3A = arith.constant dense<0.000000e+00> : vector<10000x128xf32>
    %dot_general3A_21 = tpu.matmul %get3A_17, %get3A_20, %dot_general3A {dimension_numbers = #tpu.dot_dimension_numbers<[1], [0], [0], [1], [0, 0, 1, 1], [], []>, transpose_lhs_hint = false} : vector<10000x128xf32>, vector<128x128xf32>, vector<10000x128xf32> -> vector<10000x128xf32>
    %mul3A = vector.broadcast %rsqrt3A : vector<10000x1xf32> to vector<10000x128xf32>
    %mul3A_22 = arith.mulf %dot_general3A_21, %mul3A : vector<10000x128xf32>
    %swap3A_23 = arith.constant 0 : index
    %swap3A_24 = arith.constant 0 : index
    %swap3A_25 = vector.load %arg3[%swap3A_23, %swap3A_24] : memref<10000x128xf32, #tpu.memory_space<vmem>>, vector<10000x128xf32>
    tpu.vector_store %arg3[%swap3A_23, %swap3A_24], %mul3A_22 {strides = array<i32>} : memref<10000x128xf32, #tpu.memory_space<vmem>>, vector<10000x128xf32>,
    return
  }
}

module attributes {stable_mosaic.version = 14 : i64} {
  func.func @_tc2_body(%arg0: memref<2x10000x128xf32, #tpu.memory_space<vmem>>, %arg1: memref<10000x128xf32, #tpu.memory_space<vmem>>, %arg2: memref<10000x1xf32, #tpu.memory_space<vmem>>, %arg3: memref<1x64xf32, #tpu.memory_space<vmem>>, %arg4: memref<64x128xf32, #tpu.memory_space<vmem>>, %arg5: memref<10000x128xf32, #tpu.memory_space<vmem>>) attributes {dimension_semantics = [], scalar_prefetch = 0 : i64, scratch_operands = 0 : i64, tpu.core_type = #tpu.core_type<tc>} {
    %get3A = arith.constant 0 : index
    %get3A_0 = arith.constant 0 : index
    %get3A_1 = arith.constant 0 : index
    %get3A_2 = vector.load %arg0[%get3A, %get3A_0, %get3A_1] : memref<2x10000x128xf32, #tpu.memory_space<vmem>>, vector<1x10000x128xf32>
    %get3A_3 = vector.shape_cast %get3A_2 : vector<1x10000x128xf32> to vector<10000x128xf32>
    %slice3A = vector.extract_strided_slice %get3A_3 {offsets = [0, 0], sizes = [10000, 64], strides = [1, 1]} : vector<10000x128xf32> to vector<10000x64xf32>
    %get3A_4 = arith.constant 1 : index
    %get3A_5 = arith.constant 0 : index
    %get3A_6 = arith.constant 0 : index
    %get3A_7 = vector.load %arg0[%get3A_4, %get3A_5, %get3A_6] : memref<2x10000x128xf32, #tpu.memory_space<vmem>>, vector<1x10000x128xf32>
    %get3A_8 = vector.shape_cast %get3A_7 : vector<1x10000x128xf32> to vector<10000x128xf32>
    %slice3A_9 = vector.extract_strided_slice %get3A_8 {offsets = [0, 0], sizes = [10000, 64], strides = [1, 1]} : vector<10000x128xf32> to vector<10000x64xf32>
    %add3A = arith.addf %slice3A, %slice3A_9 : vector<10000x64xf32>
    %get3A_10 = arith.constant 0 : index
    %get3A_11 = arith.constant 0 : index
    %get3A_12 = vector.load %arg1[%get3A_10, %get3A_11] : memref<10000x128xf32, #tpu.memory_space<vmem>>, vector<10000x64xf32>
    %add3A_13 = arith.addf %add3A, %get3A_12 : vector<10000x64xf32>
    %get3A_14 = arith.constant 0 : index
    %get3A_15 = arith.constant 0 : index
    %get3A_16 = vector.load %arg2[%get3A_14, %get3A_15] : memref<10000x1xf32, #tpu.memory_space<vmem>>, vector<10000x1xf32>
    %mul3A = vector.broadcast %get3A_16 : vector<10000x1xf32> to vector<10000x64xf32>
    %mul3A_17 = arith.mulf %add3A_13, %mul3A : vector<10000x64xf32>
    %get3A_18 = arith.constant 0 : index
    %get3A_19 = arith.constant 0 : index
    %get3A_20 = vector.load %arg3[%get3A_18, %get3A_19] : memref<1x64xf32, #tpu.memory_space<vmem>>, vector<1x64xf32>
    %add3A_21 = vector.broadcast %get3A_20 : vector<1x64xf32> to vector<10000x64xf32>
    %add3A_22 = arith.addf %mul3A_17, %add3A_21 : vector<10000x64xf32>
    %max3A = arith.constant 0.000000e+00 : f32
    %max3A_23 = vector.broadcast %max3A : f32 to vector<10000x64xf32>
    %max3A_24 = arith.maximumf %add3A_22, %max3A_23 : vector<10000x64xf32>
    %get3A_25 = arith.constant 0 : index
    %get3A_26 = arith.constant 0 : index
    %get3A_27 = vector.load %arg4[%get3A_25, %get3A_26] : memref<64x128xf32, #tpu.memory_space<vmem>>, vector<64x128xf32>
    %dot_general3A = arith.constant dense<0.000000e+00> : vector<10000x128xf32>
    %dot_general3A_28 = tpu.matmul %max3A_24, %get3A_27, %dot_general3A {dimension_numbers = #tpu.dot_dimension_numbers<[1], [0], [0], [1], [0, 0, 1, 1], [], []>, transpose_lhs_hint = false} : vector<10000x64xf32>, vector<64x128xf32>, vector<10000x128xf32> -> vector<10000x128xf32>
    %mul3A_29 = vector.broadcast %get3A_16 : vector<10000x1xf32> to vector<10000x128xf32>
    %mul3A_30 = arith.mulf %dot_general3A_28, %mul3A_29 : vector<10000x128xf32>
    %swap3A = arith.constant 0 : index
    %swap3A_31 = arith.constant 0 : index
    %swap3A_32 = vector.load %arg5[%swap3A, %swap3A_31] : memref<10000x128xf32, #tpu.memory_space<vmem>>, vector<10000x128xf32>
    tpu.vector_store %arg5[%swap3A, %swap3A_31], %mul3A_30 {strides = array<i32>} : memref<10000x128xf32, #tpu.memory_space<vmem>>, vector<10000x128xf32>,
    return
  }
}

module attributes {stable_mosaic.version = 14 : i64} {
  func.func @_tc3_body(%arg0: memref<2x10000x128xf32, #tpu.memory_space<vmem>>, %arg1: memref<10000x128xf32, #tpu.memory_space<vmem>>, %arg2: memref<10000x1xf32, #tpu.memory_space<vmem>>, %arg3: memref<1x64xf32, #tpu.memory_space<vmem>>, %arg4: memref<64x1xf32, #tpu.memory_space<vmem>>, %arg5: memref<1x1xf32, #tpu.memory_space<vmem>>, %arg6: memref<10000x1xf32, #tpu.memory_space<vmem>>) attributes {dimension_semantics = [], scalar_prefetch = 0 : i64, scratch_operands = 0 : i64, tpu.core_type = #tpu.core_type<tc>} {
    %get3A = arith.constant 0 : index
    %get3A_0 = arith.constant 0 : index
    %get3A_1 = arith.constant 0 : index
    %get3A_2 = vector.load %arg0[%get3A, %get3A_0, %get3A_1] : memref<2x10000x128xf32, #tpu.memory_space<vmem>>, vector<1x10000x128xf32>
    %get3A_3 = vector.shape_cast %get3A_2 : vector<1x10000x128xf32> to vector<10000x128xf32>
    %slice3A = vector.extract_strided_slice %get3A_3 {offsets = [0, 0], sizes = [10000, 64], strides = [1, 1]} : vector<10000x128xf32> to vector<10000x64xf32>
    %get3A_4 = arith.constant 1 : index
    %get3A_5 = arith.constant 0 : index
    %get3A_6 = arith.constant 0 : index
    %get3A_7 = vector.load %arg0[%get3A_4, %get3A_5, %get3A_6] : memref<2x10000x128xf32, #tpu.memory_space<vmem>>, vector<1x10000x128xf32>
    %get3A_8 = vector.shape_cast %get3A_7 : vector<1x10000x128xf32> to vector<10000x128xf32>
    %slice3A_9 = vector.extract_strided_slice %get3A_8 {offsets = [0, 0], sizes = [10000, 64], strides = [1, 1]} : vector<10000x128xf32> to vector<10000x64xf32>
    %add3A = arith.addf %slice3A, %slice3A_9 : vector<10000x64xf32>
    %get3A_10 = arith.constant 0 : index
    %get3A_11 = arith.constant 0 : index
    %get3A_12 = vector.load %arg1[%get3A_10, %get3A_11] : memref<10000x128xf32, #tpu.memory_space<vmem>>, vector<10000x64xf32>
    %add3A_13 = arith.addf %add3A, %get3A_12 : vector<10000x64xf32>
    %get3A_14 = arith.constant 0 : index
    %get3A_15 = arith.constant 0 : index
    %get3A_16 = vector.load %arg2[%get3A_14, %get3A_15] : memref<10000x1xf32, #tpu.memory_space<vmem>>, vector<10000x1xf32>
    %mul3A = vector.broadcast %get3A_16 : vector<10000x1xf32> to vector<10000x64xf32>
    %mul3A_17 = arith.mulf %add3A_13, %mul3A : vector<10000x64xf32>
    %get3A_18 = arith.constant 0 : index
    %get3A_19 = arith.constant 0 : index
    %get3A_20 = vector.load %arg3[%get3A_18, %get3A_19] : memref<1x64xf32, #tpu.memory_space<vmem>>, vector<1x64xf32>
    %add3A_21 = vector.broadcast %get3A_20 : vector<1x64xf32> to vector<10000x64xf32>
    %add3A_22 = arith.addf %mul3A_17, %add3A_21 : vector<10000x64xf32>
    %max3A = arith.constant 0.000000e+00 : f32
    %max3A_23 = vector.broadcast %max3A : f32 to vector<10000x64xf32>
    %max3A_24 = arith.maximumf %add3A_22, %max3A_23 : vector<10000x64xf32>
    %get3A_25 = arith.constant 0 : index
    %get3A_26 = arith.constant 0 : index
    %get3A_27 = vector.load %arg4[%get3A_25, %get3A_26] : memref<64x1xf32, #tpu.memory_space<vmem>>, vector<64x1xf32>
    %dot_general3A = arith.constant dense<0.000000e+00> : vector<10000x1xf32>
    %dot_general3A_28 = tpu.matmul %max3A_24, %get3A_27, %dot_general3A {dimension_numbers = #tpu.dot_dimension_numbers<[1], [0], [0], [1], [0, 0, 1, 1], [], []>, transpose_lhs_hint = false} : vector<10000x64xf32>, vector<64x1xf32>, vector<10000x1xf32> -> vector<10000x1xf32>
    %get3A_29 = arith.constant 0 : index
    %get3A_30 = arith.constant 0 : index
    %get3A_31 = vector.load %arg5[%get3A_29, %get3A_30] : memref<1x1xf32, #tpu.memory_space<vmem>>, vector<1x1xf32>
    %add3A_32 = vector.broadcast %get3A_31 : vector<1x1xf32> to vector<10000x1xf32>
    %add3A_33 = arith.addf %dot_general3A_28, %add3A_32 : vector<10000x1xf32>
    %swap3A = arith.constant 0 : index
    %swap3A_34 = arith.constant 0 : index
    %swap3A_35 = vector.load %arg6[%swap3A, %swap3A_34] : memref<10000x1xf32, #tpu.memory_space<vmem>>, vector<10000x1xf32>
    tpu.vector_store %arg6[%swap3A, %swap3A_34], %add3A_33 {strides = array<i32>} : memref<10000x1xf32, #tpu.memory_space<vmem>>, vector<10000x1xf32>,
    return
  }
}

</mosaic_0001>

<sc_bundles>
// kernel: kernel.11.cloned.1.call-start
scs
__scs_entry_jumppad:
0x0: {  	(pc) =	sbr.rel $0x88, $3  }
0x1: {  	(tag) =	ssettag $0x0;
	lr =	simm.s32 $0x1  }
0x2: {  	[smem:$0x3F99] =	sst lr;
	_ =	strace $0xD0000000  }
0x3: {  	_ = 	snop  }
0x4: {  	_ = 	snop  }
0x5: {  	_ = 	snop  }
0x6: {  	_ = 	snop  }
0x7: {  	_ = 	snop  }
__scs_overlays_trampoline_lowered:
0x8: {  	[smem:$0x3FA8] =	sst s0  }
0x9: {  	[smem:$0x3FA9] =	sst s1  }
0xa: {  	[smem:$0x3FAA] =	sst s2  }
0xb: {  	[smem:$0x3FAB] =	sst s3  }
0xc: {  	[smem:$0x3FAC] =	sst s4  }
0xd: {  	[smem:$0x3FAD] =	sst s5  }
0xe: {  	[smem:$0x3FAE] =	sst s6  }
0xf: {  	[smem:$0x3FAF] =	sst s7  }
0x10: {  	[smem:$0x3FB0] =	sst s8  }
0x11: {  	[smem:$0x3FB1] =	sst s9;
	s0 =	simm.s32 @!p0 $0x0  }
0x12: {  	s1 =	sld [smem:$0x3F97];
	s0 =	simm.s32 @p0 $0x1  }
0x13: {  	[smem:$0x3FB2] =	sst s0;
	s0 =	simm.s32 @!p1 $0x0  }
0x14: {  	s2 =	sld [smem:$0x3F96];
	s0 =	simm.s32 @p1 $0x1  }
0x15: {  	[smem:$0x3FB3] =	sst s0;
	s0 =	simm.s32 @!p2 $0x0  }
0x16: {  	s3 =	sld [smem:$0x3FDB];
	s0 =	simm.s32 @p2 $0x1  }
0x17: {  	s4 =	simm.s32 $0x1BF5;
	[smem:$0x3FB5] =	sst s0  }
0x18: {  	s0 =	sld [smem:$0x3F98];
	_ =	swait.ge [sflag:s4], $0x0  }
0x19: {  	s7 =	sld [smem:$0x3F99]  }
0x1a: {  	s8 =	sadd.s32 $0xFFFFE003, lr  }
0x1b: {  	s9 =	sadd.s32 $0xFFFFFEF7, lr;
	s5 =	simm.s32 $0xFFFFFFFF;
	p2 =	slt.u32 s8, $0xFFFFF086  }
0x1c: {  	p1 =	slt.u32 s9, $0xF7A;
	s5 =	simm.s32 @!p2 $0x0  }
0x1d: {  	s5 =	simm.s32 @p1 $0x1;
	p0 =	seq.s32 s7, s2  }
0x1e: {  	s7 =	smul.u32 @!p0 $0xF7A, s2;
	p2 =	seq.s32 @!p0 s5, $0x0  }
0x1f: {  	s9 =	smul.u32 $0xF7A, s1;
	s8 =	simm.s32 @!p0 $0x1BF5;
	p2 =	por !p2, p0  }
0x20: {  	[sflag:s8] =	ssyncset.s32 @!p0 $0xFFFFF086;
	s6 =	sadd.s32 @!p0 s3, s7;
	s7 =	simm.s32 @!p0 $0x108  }
0x21: {  	s3 =	sadd.s32 s3, s9;
	s6 =	sadd.s32 @!p0 $0x88, s6;
	s7 =	simm.s32 @p2 $0x1082  }
0x22: {  	[simem:s7], [sflag:s8] =	dma.local @!p0 [hbm:s6], $0xF7A  }
0x23: {  	s9 =	sor.u32 $0xD0000000, s2;
	s6 =	simm.s32 $0x108;
	_ =	swait.ge @!p0 [sflag:s8], $0x0  }
0x24: {  	s3 =	sadd.s32 $0x88, s3;
	s6 =	simm.s32 @!p1 $0x1082;
	[sflag:s4] =	ssyncset.s32 $0xFFFFF086  }
0x25: {  	[simem:s6], [sflag:s4] =	dma.local [hbm:s3], $0xF7A  }
0x26: {  	[smem:$0x3F99] =	sst s1;
	(tag) =	ssettag s2;
	_ =	strace s9  }
0x27: {  	s1 =	sld [smem:$0x3FA9]  }
0x28: {  	s2 =	sld [smem:$0x3FAA]  }
0x29: {  	s4 =	sld [smem:$0x3FAC]  }
0x2a: {  	p0 =	seq.s32 s5, $0x0;
	s5 =	sld [smem:$0x3FAD]  }
0x2b: {  	s6 =	sld [smem:$0x3FAE]  }
0x2c: {  	s7 =	sld [smem:$0x3FAF]  }
0x2d: {  	s3 =	simm.s32 $0x108;
	s8 =	sld [smem:$0x3FB0]  }
0x2e: {  	s3 =	simm.s32 @!p0 $0x1082;
	s9 =	sld [smem:$0x3FB1]  }
0x2f: {  	lr =	sadd.s32 s0, s3;
	s0 =	sld [smem:$0x3FA8]  }
0x30: {  	s3 =	sld [smem:$0x3FAB]  }
0x31: {  	[smem:$0x3FB4] =	sst s10  }
0x32: {  	s10 =	sld [smem:$0x3FB2];
	_ =	sdelay $0x3  }
0x33: {  	p0 =	seq.s32 s10, $0x1;
	s10 =	sld [smem:$0x3FB4];
	_ =	sdelay $0x3  }
0x34: {  	[smem:$0x3FB4] =	sst s10  }
0x35: {  	s10 =	sld [smem:$0x3FB3];
	_ =	sdelay $0x3  }
0x36: {  	p1 =	seq.s32 s10, $0x1;
	s10 =	sld [smem:$0x3FB4];
	_ =	sdelay $0x3  }
0x37: {  	[smem:$0x3FB4] =	sst s10  }
0x38: {  	s10 =	sld [smem:$0x3FB5]  }
0x39: {  	_ = 	snop;
	(pc) =	sbr.ind lr, $3  }
0x3a: {  	_ = 	snop  }
0x3b: {  	_ = 	snop  }
0x3c: {  	p2 =	seq.s32 s10, $0x1;
	s10 =	sld [smem:$0x3FB4]  }
0x3d: {  	_ =	shalt  }
0x3e: {  	_ =	shalt  }
0x3f: {  	_ =	shalt  }
0x40: {  	_ =	shalt  }
0x41: {  	_ =	shalt  }
0x42: {  	_ =	shalt  }
0x43: {  	_ =	shalt  }
0x44: {  	_ =	shalt  }
0x45: {  	_ =	shalt  }
0x46: {  	_ =	shalt  }
0x47: {  	_ =	shalt  }
0x48: {  	_ =	shalt  }
0x49: {  	_ =	shalt  }
0x4a: {  	_ =	shalt  }
0x4b: {  	_ =	shalt  }
0x4c: {  	_ =	shalt  }
0x4d: {  	_ =	shalt  }
0x4e: {  	_ =	shalt  }
0x4f: {  	_ =	shalt  }
0x50: {  	_ =	shalt  }
0x51: {  	_ =	shalt  }
0x52: {  	_ =	shalt  }
0x53: {  	_ =	shalt  }
0x54: {  	_ =	shalt  }
0x55: {  	_ =	shalt  }
0x56: {  	_ =	shalt  }
0x57: {  	_ =	shalt  }
0x58: {  	_ =	shalt  }
0x59: {  	_ =	shalt  }
0x5a: {  	_ =	shalt  }
0x5b: {  	_ =	shalt  }
0x5c: {  	_ =	shalt  }
0x5d: {  	_ =	shalt  }
0x5e: {  	_ =	shalt  }
0x5f: {  	_ =	shalt  }
0x60: {  	_ =	shalt  }
0x61: {  	_ =	shalt  }
0x62: {  	_ =	shalt  }
0x63: {  	_ =	shalt  }
0x64: {  	_ =	shalt  }
0x65: {  	_ =	shalt  }
0x66: {  	_ =	shalt  }
0x67: {  	_ =	shalt  }
0x68: {  	_ =	shalt  }
0x69: {  	_ =	shalt  }
0x6a: {  	_ =	shalt  }
0x6b: {  	_ =	shalt  }
0x6c: {  	_ =	shalt  }
0x6d: {  	_ =	shalt  }
0x6e: {  	_ =	shalt  }
0x6f: {  	_ =	shalt  }
0x70: {  	_ =	shalt  }
0x71: {  	_ =	shalt  }
0x72: {  	_ =	shalt  }
0x73: {  	_ =	shalt  }
0x74: {  	_ =	shalt  }
0x75: {  	_ =	shalt  }
0x76: {  	_ =	shalt  }
0x77: {  	_ =	shalt  }
0x78: {  	_ =	shalt  }
0x79: {  	_ =	shalt  }
0x7a: {  	_ =	shalt  }
0x7b: {  	_ =	shalt  }
0x7c: {  	_ =	shalt  }
0x7d: {  	_ =	shalt  }
0x7e: {  	_ =	shalt  }
0x7f: {  	_ =	shalt  }
0x80: {  	_ =	shalt  }
0x81: {  	_ =	shalt  }
0x82: {  	_ =	shalt  }
0x83: {  	_ =	shalt  }
0x84: {  	_ =	shalt  }
0x85: {  	_ =	shalt  }
0x86: {  	_ =	shalt  }
0x87: {  	_ =	shalt  }
.Lfunc_end0:
.L_simem_size_0:
called_computation.1_lowered:
.L_overlay_start_0:
0x88: {  	s2 =	sld [smem:$0x3FD9]  }
0x89: {  	s3 =	sld [smem:$0x3FFE];
	_ =	sdelay $0x1  }
0x8a: {  	s1 =	srdreg.scid  }
0x8b: {  	s0 =	sand.u32 $0x1, s1  }
0x8c: {  	s17 =	sshll.u32 s0, $0xA;
	s2 =	sadd.s32 s3, s2  }
0x8d: {  	s2 =	sadd.s32 s2, s17  }
0x8e: {  	[smem:$0x3FC0] =	sst s2  }
0x8f: {  	_ = 	snop  }
0x90: {  	s2 =	sld [smem:$0x3FD0];
	(tm) =	ssettm $0x1  }
0x91: {  	s18 =	sld [smem:$0x3FFB];
	_ =	sdelay $0x3  }
0x92: {  	_ =	strace s18  }
0x93: {  	s3 =	sld [smem:$0x3FFC];
	_ =	sdelay $0x3  }
0x94: {  	_ =	strace s3  }
0x95: {  	s3 =	sld [smem:$0x3FFD];
	_ =	sdelay $0x3  }
0x96: {  	_ =	strace s3  }
0x97: {  	_ =	strace $0x8FFFFFFF  }
0x98: {  	s19 =	sld [smem:$0x3FDB];
	_ =	sdelay $0x1  }
0x99: {  	s4 =	simm.s32 $_scs_section_size  }
0x9a: {  	s5 =	simm.s32 $_size__tile_overlayer_lowered;
	s6 =	simm.s32 $_tile_overlayer_lowered  }
0x9b: {  	s22 =	simm.s32 $0x1BFF;
	s21 =	sshll.u32 s6, $0x1;
	s3 =	sadd.s32 s4, s19  }
0x9c: {  	s7 =	simm.s32 $0x0;
	s20 =	sshll.u32 s5, $0x1;
	s5 =	sadd.s32 s21, s3  }
0x9d: {  	[timem:s7], [sflag:s22] =	dma.local [hbm:s5], s20  }
0x9e: {  	_ =	swait.ge [sflag:s22], s20  }
0x9f: {  	s4 =	ssub.s32 $0x0, s20;
	[sflag:s22] =	ssyncset.done $0x0  }
0xa0: {  	[sflag:s22] =	ssyncadd.s32 s4;
	_ =	sdelay $0x1  }
0xa1: {  	s23 =	simm.s32 $0x1B8B  }
0xa2: {  	_ =	swait.ge [sflag:s23], $0x1  }
0xa3: {  	[sflag:s23] =	ssyncset.done $0x0  }
0xa4: {  	s25 =	simm.s32 $0x1B8E;
	s24 =	sld [smem:$0x3FFE];
	[sflag:s23] =	ssyncadd.s32 $0xFFFFFFFF  }
0xa5: {  	s26 =	simm.s32 $execute0_lowered;
	[smem:$0x3FD2] =	sst s25  }
0xa6: {  	s5 =	sshll.u32 s26, $0x1;
	_ =	strace $0x80000049;
	[dreg:$0x1] =	wrdreg $0xFFFFFFFF  }
0xa7: {  	s28 =	simm.s32 $_size_execute0_lowered;
	s3 =	sadd.s32 s3, s5;
	[dreg:$0x0] =	wrdreg $0x0  }
0xa8: {  	s5 =	sshll.u32 s28, $0x1;
	[dreg:$0x2] =	wrdreg s3  }
0xa9: {  	[dreg:$0x3] =	wrdreg s5  }
0xaa: {  	[dreg:$0x4] =	wrdreg $0xC0  }
0xab: {  	_ =	task [dreg:s7], $0x5FFFF  }
0xac: {  	[dreg:$0x1] =	wrdreg $0xFFFFFFFF  }
0xad: {  	[dreg:$0x0] =	wrdreg $0x60  }
0xae: {  	[dreg:$0x2] =	wrdreg s24  }
0xaf: {  	[dreg:$0x3] =	wrdreg s2  }
0xb0: {  	[dreg:$0x4] =	wrdreg $0xEC400  }
0xb1: {  	[dreg:$0x5] =	wrdreg $0x9  }
0xb2: {  	_ =	task.clear_ibuf [dreg:s7], $0x6FFFF;
	_ =	strace $0x90000049  }
0xb3: {  	s29 =	simm.s32 $0x9;
	_ =	strace $0x8000004B  }
0xb4: {  	_ =	swait.ge [sflag:s29], $0x1  }
0xb5: {  	[sflag:s29] =	ssyncadd.s32 $0xFFFFFFFF  }
0xb6: {  	_ =	strace $0x9000004B  }
0xb7: {  	_ =	sfence  }
0xb8: {  	s30 =	sld [smem:$0x0];
	_ =	sdelay $0x2  }
0xb9: {  	s31 =	sshll.u32 s1, $0xD;
	s1 =	sshrl.u32 s1, $0x2  }
0xba: {  	s3 =	sand.u32 $0x4000, s31;
	s1 =	sadd.s32 s1, s30  }
0xbb: {  	s0 =	sor.u32 s3, s0;
	s1 =	sshll.u32 s1, $0x11  }
0xbc: {  	s0 =	sor.u32 s1, s0  }
0xbd: {  	s0 =	sadd.s32 $0x8F2B, s0  }
0xbe: {  	[sflag:s0] =	ssyncadd.remote.s32 $0x1  }
0xbf: {  	_ =	sfence.sel $0xFFFF  }
0xc0: {  	[dreg:$0x0] =	wrdreg $0xFFFFFFFF;
	(pc) =	sbr.abs _section_cstart, $3  }
0xc1: {  	[dreg:$0x1] =	wrdreg $0xFFFFFFFF  }
0xc2: {  	_ =	task.clear_ibuf [dreg:s7], $0x2FFFF;
	_ =	strace $0x9FFFFFFF  }
0xc3: {  	(tm) =	ssettm $0x7FFFFFFF  }
tec
execute0_lowered:
.L_overlay_start_1:
0x0: {  	(tag) =	ssettag $0x1  }
0x1: {  	s0 =	srdreg.scid;
	s1 =	rddreg [dreg:$0x0]  }
0x2: {  	s8 =	stileid.u32;
	s3 =	rddreg [dreg:$0x2]  }
0x3: {  	s4 =	simm.s32 $0x0;
	s15 =	simm.s32 $0x9;
	s17 =	simm.s32 $0xCD00  }
0x4: {  	s18 =	simm.s32 $0x7D;
	s19 =	simm.s32 $0x5000;
	s21 =	simm.s32 $0x6F40  }
0x5: {  	s23 =	simm.s32 $0x8E80;
	s25 =	simm.s32 $0xADC0;
	s28 =	simm.s32 $0x2  }
0x6: {  	s29 =	simm.s32 $0x3;
	s30 =	simm.s32 $0x4;
	s31 =	simm.s32 $0x5  }
0x7: {  	s20 =	simm.s32 $0x0;
	s0 =	sand.u32 $0x1, s0;
	[smem:$0x7FF] =	sst s4  }
0x8: {  	s7 =	smul.u32 $0x13880, s8;
	s5 =	sadd.s32 $0x16C00, s1;
	s2 =	sshll.u32 s0, $0x4  }
0x9: {  	s6 =	smul.u32 $0x138800, s0;
	_ =	strace $0x8000004A;
	s0 =	ssub.s32 $0x2, s0  }
0xa: {  	s2 =	sor.u32 s8, s2;
	s8 =	smul.u32 $0x27100, s8;
	s26 =	sshrl.u32 s0, $0x1  }
0xb: {  	s2 =	smul.u32 $0x2800, s2;
	s6 =	sadd.s32 s7, s6;
	s0 =	ssub.s32 s0, s26  }
0xc: {  	s26 =	simm.s32 $0x1;
	s6 =	sshrl.u32 s6, $0x3;
	s8 =	sshrl.u32 s8, $0x2  }
0xd: {  	s14 =	smax.u32 s0, $0x1;
	s0 =	simm.s32 $0x8;
	s2 =	sshrl.u32 s2, $0x3  }
0xe: {  	s2 =	sadd.s32 s2, s1;
	s1 =	sadd.s32 s6, s1;
	s6 =	sadd.s32 s8, s3  }
0xf: {  	s7 =	sadd.s32 $0x2C00, s2;
	s8 =	sadd.s32 $0xCC00, s2;
	s9 =	sadd.s32 $0x1F40, s6  }
0x10: {  	s10 =	sadd.s32 $0x3E80, s6;
	s11 =	sadd.s32 $0x5DC0, s6;
	s12 =	sadd.s32 $0x7D00, s6  }
0x11: {  	s13 =	sadd.s32 $0x3DE00, s1;
	s1 =	simm.s32 $0x6;
	s2 =	simm.s32 $0x7  }
.LBB2_1:
0x12: {  	[tilespmem:s4], [sflag:$0x9] =	stream.linear.gather [hbm4b:s7+s4], $0x2800, $0x38;
	[tilespmem:$0x18880] =	vst v63  }
0x13: {  	_ =	swait.ge [sflag:s15], $0x2800  }
0x14: {  	[sflag:s15] =	ssyncset.done $0x0  }
0x15: {  	s16 =	simm.s32 $0x2800;
	[sflag:s15] =	ssyncadd.s32 $0xFFFFD800  }
0x16: {  	[tilespmem:s16], [sflag:$0x9] =	stream.linear.gather [hbm4b:s8+s4], $0x2800, $0x38;
	[tilespmem:$0x18880] =	vst v63  }
0x17: {  	_ =	swait.ge [sflag:s15], $0x2800  }
0x18: {  	[sflag:s15] =	ssyncset.done $0x0  }
0x19: {  	[sflag:s15] =	ssyncadd.s32 $0xFFFFD800  }
0x1a: {  	s22 =	rddreg [dreg:$0x1]  }
0x1b: {  	[tilespmem:s17], [sflag:$0x9] =	stream.linear.gather [hbm4b:s22+s4], $0x1F40, $0x38;
	[tilespmem:$0x18880] =	vst v63  }
0x1c: {  	_ =	swait.ge [sflag:s15], $0x1F40  }
0x1d: {  	[sflag:s15] =	ssyncset.done $0x0  }
0x1e: {  	[sflag:s15] =	ssyncadd.s32 $0xFFFFE0C0  }
0x1f: {  	[spmem:s6] =	stream.linear.scatter [tilespmem:s17], [sflag:$0x9], $0x1F40, $0x38;
	[tilespmem:$0x18880] =	vst v63  }
0x20: {  	_ =	swait.ge [sflag:s15], $0x1F40  }
0x21: {  	[sflag:s15] =	ssyncset.done $0x0  }
0x22: {  	[sflag:s15] =	ssyncadd.s32 $0xFFFFE0C0  }
0x23: {  	[spmem:s9] =	stream.linear.scatter [tilespmem:s17], [sflag:$0x9], $0x1F40, $0x38;
	[tilespmem:$0x18880] =	vst v63  }
0x24: {  	_ =	swait.ge [sflag:s15], $0x1F40  }
0x25: {  	[sflag:s15] =	ssyncset.done $0x0  }
0x26: {  	[sflag:s15] =	ssyncadd.s32 $0xFFFFE0C0  }
0x27: {  	[spmem:s10] =	stream.linear.scatter [tilespmem:s17], [sflag:$0x9], $0x1F40, $0x38;
	[tilespmem:$0x18880] =	vst v63  }
0x28: {  	_ =	swait.ge [sflag:s15], $0x1F40  }
0x29: {  	[sflag:s15] =	ssyncset.done $0x0  }
0x2a: {  	[sflag:s15] =	ssyncadd.s32 $0xFFFFE0C0  }
0x2b: {  	[spmem:s11] =	stream.linear.scatter [tilespmem:s17], [sflag:$0x9], $0x1F40, $0x38;
	[tilespmem:$0x18880] =	vst v63  }
0x2c: {  	_ =	swait.ge [sflag:s15], $0x1F40  }
0x2d: {  	[sflag:s15] =	ssyncset.done $0x0  }
0x2e: {  	[sflag:s15] =	ssyncadd.s32 $0xFFFFE0C0  }
0x2f: {  	[spmem:s12] =	stream.linear.scatter [tilespmem:s17], [sflag:$0x9], $0x1F40, $0x38;
	[tilespmem:$0x18880] =	vst v63  }
0x30: {  	_ =	swait.ge [sflag:s15], $0x1F40  }
0x31: {  	[sflag:s15] =	ssyncset.done $0x0  }
0x32: {  	[sflag:s15] =	ssyncadd.s32 $0xFFFFE0C0  }
0x33: {  	[bflag:$0x0] =	sbarrier.arrive $0xFFFF  }
0x34: {  	[tilespmem:s19], [sflag:$0x1] =	stream.indirect.gather [hbm4b:s5+s18], $0x40, s4, s18, $0xb8;
	[tilespmem:$0x18880] =	vst v63  }
0x35: {  	s24 =	simm.s32 $0x80  }
0x36: {  	[tilespmem:s21], [sflag:$0x2] =	stream.indirect.gather [hbm4b:s5+s18], $0x40, s24, s18, $0xb8;
	[tilespmem:$0x18880] =	vst v63  }
0x37: {  	s22 =	simm.s32 $0x100  }
0x38: {  	[tilespmem:s23], [sflag:$0x3] =	stream.indirect.gather [hbm4b:s5+s18], $0x40, s22, s18, $0xb8;
	[tilespmem:$0x18880] =	vst v63  }
0x39: {  	s24 =	simm.s32 $0x180  }
0x3a: {  	[tilespmem:s25], [sflag:$0x4] =	stream.indirect.gather [hbm4b:s5+s18], $0x40, s24, s18, $0xb8;
	[tilespmem:$0x18880] =	vst v63  }
0x3b: {  	_ =	swait.ge [sflag:s26], $0x1F40  }
0x3c: {  	[sflag:s26] =	ssyncset.done $0x0  }
0x3d: {  	s22 =	simm.s32 $0x2800;
	[sflag:s26] =	ssyncadd.s32 $0xFFFFE0C0  }
0x3e: {  	[spmem:s3] =	stream.indirect.scatter.add.f32 [tilespmem:s19], [sflag:$0x5], $0x40, s22, s18, $0xb8;
	[tilespmem:$0x18880] =	vst v63  }
0x3f: {  	_ =	swait.ge [sflag:s28], $0x1F40  }
0x40: {  	[sflag:s28] =	ssyncset.done $0x0  }
0x41: {  	s16 =	simm.s32 $0x2880;
	[sflag:s28] =	ssyncadd.s32 $0xFFFFE0C0  }
0x42: {  	[spmem:s3] =	stream.indirect.scatter.add.f32 [tilespmem:s21], [sflag:$0x6], $0x40, s16, s18, $0xb8;
	[tilespmem:$0x18880] =	vst v63  }
0x43: {  	_ =	swait.ge [sflag:s29], $0x1F40  }
0x44: {  	[sflag:s29] =	ssyncset.done $0x0  }
0x45: {  	s24 =	simm.s32 $0x2900;
	[sflag:s29] =	ssyncadd.s32 $0xFFFFE0C0  }
0x46: {  	[spmem:s3] =	stream.indirect.scatter.add.f32 [tilespmem:s23], [sflag:$0x7], $0x40, s24, s18, $0xb8;
	[tilespmem:$0x18880] =	vst v63  }
0x47: {  	_ =	swait.ge [sflag:s30], $0x1F40  }
0x48: {  	[sflag:s30] =	ssyncset.done $0x0  }
0x49: {  	s16 =	simm.s32 $0x2980;
	[sflag:s30] =	ssyncadd.s32 $0xFFFFE0C0  }
0x4a: {  	[spmem:s3] =	stream.indirect.scatter.add.f32 [tilespmem:s25], [sflag:$0x8], $0x40, s16, s18, $0xb8;
	[tilespmem:$0x18880] =	vst v63  }
0x4b: {  	_ =	swait.ge [sflag:s31], $0x1F40  }
0x4c: {  	[sflag:s31] =	ssyncset.done $0x0  }
0x4d: {  	s24 =	simm.s32 $0x200;
	[sflag:s31] =	ssyncadd.s32 $0xFFFFE0C0  }
0x4e: {  	[tilespmem:s19], [sflag:$0x1] =	stream.indirect.gather [hbm4b:s5+s18], $0x40, s24, s18, $0xb8;
	[tilespmem:$0x18880] =	vst v63  }
0x4f: {  	_ =	swait.ge [sflag:s1], $0x1F40  }
0x50: {  	[sflag:s1] =	ssyncset.done $0x0  }
0x51: {  	s16 =	simm.s32 $0x280;
	[sflag:s1] =	ssyncadd.s32 $0xFFFFE0C0  }
0x52: {  	[tilespmem:s21], [sflag:$0x2] =	stream.indirect.gather [hbm4b:s5+s18], $0x40, s16, s18, $0xb8;
	[tilespmem:$0x18880] =	vst v63  }
0x53: {  	_ =	swait.ge [sflag:s2], $0x1F40  }
0x54: {  	[sflag:s2] =	ssyncset.done $0x0  }
0x55: {  	s24 =	simm.s32 $0x300;
	[sflag:s2] =	ssyncadd.s32 $0xFFFFE0C0  }
0x56: {  	[tilespmem:s23], [sflag:$0x3] =	stream.indirect.gather [hbm4b:s5+s18], $0x40, s24, s18, $0xb8;
	[tilespmem:$0x18880] =	vst v63  }
0x57: {  	_ =	swait.ge [sflag:s0], $0x1F40  }
0x58: {  	[sflag:s0] =	ssyncset.done $0x0  }
0x59: {  	s22 =	simm.s32 $0x800;
	s24 =	simm.s32 $0x380;
	[sflag:s0] =	ssyncadd.s32 $0xFFFFE0C0  }
.LBB2_2:
0x5a: {  	[tilespmem:s25], [sflag:$0x4] =	stream.indirect.gather [hbm4b:s5+s18], $0x40, s24, s18, $0xb8;
	[tilespmem:$0x18880] =	vst v63  }
0x5b: {  	s24 =	smov.u32 s22  }
0x5c: {  	p0 =	sne.s32 s22, $0x9000;
	s22 =	sadd.s32 $0x800, s22;
	_ =	swait.ge [sflag:s26], $0x1F40  }
0x5d: {  	s24 =	sshra.s32 s24, $0x2;
	[sflag:s26] =	ssyncset.done $0x0  }
0x5e: {  	s16 =	sadd.s32 $0x2800, s24;
	[sflag:s26] =	ssyncadd.s32 $0xFFFFE0C0  }
0x5f: {  	[spmem:s3] =	stream.indirect.scatter.add.f32 [tilespmem:s19], [sflag:$0x5], $0x40, s16, s18, $0xb8;
	[tilespmem:$0x18880] =	vst v63  }
0x60: {  	_ =	swait.ge [sflag:s28], $0x1F40  }
0x61: {  	[sflag:s28] =	ssyncset.done $0x0  }
0x62: {  	s16 =	sadd.s32 $0x2880, s24;
	[sflag:s28] =	ssyncadd.s32 $0xFFFFE0C0  }
0x63: {  	[spmem:s3] =	stream.indirect.scatter.add.f32 [tilespmem:s21], [sflag:$0x6], $0x40, s16, s18, $0xb8;
	[tilespmem:$0x18880] =	vst v63  }
0x64: {  	_ =	swait.ge [sflag:s29], $0x1F40  }
0x65: {  	[sflag:s29] =	ssyncset.done $0x0  }
0x66: {  	s16 =	sadd.s32 $0x2900, s24;
	[sflag:s29] =	ssyncadd.s32 $0xFFFFE0C0  }
0x67: {  	[spmem:s3] =	stream.indirect.scatter.add.f32 [tilespmem:s23], [sflag:$0x7], $0x40, s16, s18, $0xb8;
	[tilespmem:$0x18880] =	vst v63  }
0x68: {  	_ =	swait.ge [sflag:s30], $0x1F40  }
0x69: {  	[sflag:s30] =	ssyncset.done $0x0  }
0x6a: {  	s16 =	sadd.s32 $0x2980, s24;
	[sflag:s30] =	ssyncadd.s32 $0xFFFFE0C0  }
0x6b: {  	[spmem:s3] =	stream.indirect.scatter.add.f32 [tilespmem:s25], [sflag:$0x8], $0x40, s16, s18, $0xb8;
	[tilespmem:$0x18880] =	vst v63  }
0x6c: {  	_ =	swait.ge [sflag:s31], $0x1F40  }
0x6d: {  	[sflag:s31] =	ssyncset.done $0x0  }
0x6e: {  	s16 =	sadd.s32 $0x200, s24;
	[sflag:s31] =	ssyncadd.s32 $0xFFFFE0C0  }
0x6f: {  	[tilespmem:s19], [sflag:$0x1] =	stream.indirect.gather [hbm4b:s5+s18], $0x40, s16, s18, $0xb8;
	[tilespmem:$0x18880] =	vst v63  }
0x70: {  	_ =	swait.ge [sflag:s1], $0x1F40  }
0x71: {  	[sflag:s1] =	ssyncset.done $0x0  }
0x72: {  	s16 =	sadd.s32 $0x280, s24;
	[sflag:s1] =	ssyncadd.s32 $0xFFFFE0C0  }
0x73: {  	[tilespmem:s21], [sflag:$0x2] =	stream.indirect.gather [hbm4b:s5+s18], $0x40, s16, s18, $0xb8;
	[tilespmem:$0x18880] =	vst v63  }
0x74: {  	_ =	swait.ge [sflag:s2], $0x1F40  }
0x75: {  	[sflag:s2] =	ssyncset.done $0x0  }
.Ltmp0:
0x76: {  	s16 =	sadd.s32 $0x300, s24;
	[sflag:s2] =	ssyncadd.s32 $0xFFFFE0C0;
	(pc) =	sbr.rel @p0 .LBB2_2-.Ltmp0, $4  }
0x77: {  	[tilespmem:s23], [sflag:$0x3] =	stream.indirect.gather [hbm4b:s5+s18], $0x40, s16, s18, $0xb8;
	[tilespmem:$0x18880] =	vst v63  }
0x78: {  	_ =	swait.ge [sflag:s0], $0x1F40  }
0x79: {  	[sflag:s0] =	ssyncset.done $0x0  }
0x7a: {  	s24 =	sadd.s32 $0x380, s24;
	[sflag:s0] =	ssyncadd.s32 $0xFFFFE0C0  }
0x7b: {  	[tilespmem:s25], [sflag:$0x4] =	stream.indirect.gather [hbm4b:s5+s18], $0x40, s24, s18, $0xb8;
	[tilespmem:$0x18880] =	vst v63  }
0x7c: {  	_ =	swait.ge [sflag:s26], $0x1F40  }
0x7d: {  	[sflag:s26] =	ssyncset.done $0x0  }
0x7e: {  	s16 =	simm.s32 $0x4E00;
	[sflag:s26] =	ssyncadd.s32 $0xFFFFE0C0  }
0x7f: {  	[spmem:s3] =	stream.indirect.scatter.add.f32 [tilespmem:s19], [sflag:$0x5], $0x40, s16, s18, $0xb8;
	[tilespmem:$0x18880] =	vst v63  }
0x80: {  	_ =	swait.ge [sflag:s28], $0x1F40  }
0x81: {  	[sflag:s28] =	ssyncset.done $0x0  }
0x82: {  	s22 =	simm.s32 $0x4E80;
	[sflag:s28] =	ssyncadd.s32 $0xFFFFE0C0  }
0x83: {  	[spmem:s3] =	stream.indirect.scatter.add.f32 [tilespmem:s21], [sflag:$0x6], $0x40, s22, s18, $0xb8;
	[tilespmem:$0x18880] =	vst v63  }
0x84: {  	_ =	swait.ge [sflag:s29], $0x1F40  }
0x85: {  	[sflag:s29] =	ssyncset.done $0x0  }
0x86: {  	s24 =	simm.s32 $0x4F00;
	[sflag:s29] =	ssyncadd.s32 $0xFFFFE0C0  }
0x87: {  	[spmem:s3] =	stream.indirect.scatter.add.f32 [tilespmem:s23], [sflag:$0x7], $0x40, s24, s18, $0xb8;
	[tilespmem:$0x18880] =	vst v63  }
0x88: {  	_ =	swait.ge [sflag:s30], $0x1F40  }
0x89: {  	[sflag:s30] =	ssyncset.done $0x0  }
0x8a: {  	s22 =	simm.s32 $0x4F80;
	[sflag:s30] =	ssyncadd.s32 $0xFFFFE0C0  }
0x8b: {  	[spmem:s3] =	stream.indirect.scatter.add.f32 [tilespmem:s25], [sflag:$0x8], $0x40, s22, s18, $0xb8;
	[tilespmem:$0x18880] =	vst v63  }
0x8c: {  	_ =	swait.ge [sflag:s31], $0x1F40  }
0x8d: {  	[sflag:s31] =	ssyncset.done $0x0  }
0x8e: {  	[sflag:s31] =	ssyncadd.s32 $0xFFFFE0C0  }
0x8f: {  	_ =	swait.ge [sflag:s1], $0x1F40  }
0x90: {  	[sflag:s1] =	ssyncset.done $0x0  }
0x91: {  	[sflag:s1] =	ssyncadd.s32 $0xFFFFE0C0  }
0x92: {  	_ =	swait.ge [sflag:s2], $0x1F40  }
0x93: {  	[sflag:s2] =	ssyncset.done $0x0  }
0x94: {  	[sflag:s2] =	ssyncadd.s32 $0xFFFFE0C0  }
0x95: {  	s20 =	sadd.s32 $0x1, s20;
	s24 =	stileid.u32;
	_ =	swait.ge [sflag:s0], $0x1F40  }
0x96: {  	p0 =	sne.s32 s20, s14;
	s16 =	sshll.u32 s24, $0x6;
	[sflag:s0] =	ssyncset.done $0x0  }
0x97: {  	s24 =	simm.s32 $0x10;
	s16 =	sor.u32 $0x1C09, s16;
	[sflag:s0] =	ssyncadd.s32 $0xFFFFE0C0  }
.Ltmp1:
0x98: {  	s22 =	sshrl.u32 s6, $0x3;
	[bflag:$0x0] =	sbarrier.arrive $0xFFFF;
	(pc) =	sbr.rel @p0 .LBB2_1-.Ltmp1, $4  }
0x99: {  	[hbm:s13@s24], [sflag:s16] =	dma.strided [spmem:s22@s0], $0x1388, s26, $0x8   }
0x9a: {  	_ =	swait.ge [sflag:s15], $0x1388  }
0x9b: {  	[sflag:s15] =	ssyncset.done $0x0  }
0x9c: {  	[sflag:s15] =	ssyncadd.s32 $0xFFFFEC78  }
0x9d: {  	_ =	sfence.sel $0x180000  }
0x9e: {  	[bflag:$0x0] =	sbarrier.arrive $0xFFFF  }
0x9f: {  	_ =	strace $0x9000004A  }
0xa0: {  	s0 =	stileid.u32;
	[bflag:$0x2] =	sbarrier.arrive $0xFFFF  }
0xa1: {  	p0 =	sne.s32 s0, $0x0;
	s0 =	rddreg [dreg:$0x3]  }
0xa2: {  	s0 =	sadd.s32 @!p0 $0x100000, s0  }
0xa3: {  	[sflag:s0] =	ssyncadd.tile.s32 @!p0 $0x1;
	_ =	shalt  }
.Lfunc_end2:
_tile_overlayer_lowered:
.L_overlay_start_2:
0xa4: {  	(tag) =	ssettag $0x2  }
0xa5: {  	s0 =	rddreg [dreg:$0x0];
	s2 =	stileid.u32  }
0xa6: {  	s1 =	rddreg [dreg:$0x1];
	p0 =	sne.s32 s2, $0x0  }
0xa7: {  	s3 =	rddreg [dreg:$0x2];
	[bflag:$0x3] =	sbarrier.arrive $0xFFFF;
	s2 =	simm.s32 @!p0 $0x1C09  }
0xa8: {  	[timem:s3], [sflag:s2] =	dma.local @!p0 [hbm:s0], s1  }
0xa9: {  	s0 =	simm.s32 @!p0 $0x9  }
0xaa: {  	_ =	swait.ge @!p0 [sflag:s0], s1  }
0xab: {  	s1 =	ssub.s32 @!p0 $0x0, s1;
	[sflag:s0] =	ssyncset.done @!p0 $0x0  }
0xac: {  	[sflag:s0] =	ssyncadd.s32 @!p0 s1  }
0xad: {  	[bflag:$0x3] =	sbarrier.arrive $0xFFFF  }
0xae: {  	_ =	shalt  }

// kernel: kernel.14.cloned.1.call-start
scs
__scs_entry_jumppad:
0x0: {  	(pc) =	sbr.rel $0x88, $3  }
0x1: {  	(tag) =	ssettag $0x0;
	lr =	simm.s32 $0x1  }
0x2: {  	[smem:$0x3F99] =	sst lr;
	_ =	strace $0xD0000000  }
0x3: {  	_ = 	snop  }
0x4: {  	_ = 	snop  }
0x5: {  	_ = 	snop  }
0x6: {  	_ = 	snop  }
0x7: {  	_ = 	snop  }
__scs_overlays_trampoline_lowered:
0x8: {  	[smem:$0x3FA8] =	sst s0  }
0x9: {  	[smem:$0x3FA9] =	sst s1  }
0xa: {  	[smem:$0x3FAA] =	sst s2  }
0xb: {  	[smem:$0x3FAB] =	sst s3  }
0xc: {  	[smem:$0x3FAC] =	sst s4  }
0xd: {  	[smem:$0x3FAD] =	sst s5  }
0xe: {  	[smem:$0x3FAE] =	sst s6  }
0xf: {  	[smem:$0x3FAF] =	sst s7  }
0x10: {  	[smem:$0x3FB0] =	sst s8  }
0x11: {  	[smem:$0x3FB1] =	sst s9;
	s0 =	simm.s32 @!p0 $0x0  }
0x12: {  	s1 =	sld [smem:$0x3F97];
	s0 =	simm.s32 @p0 $0x1  }
0x13: {  	[smem:$0x3FB2] =	sst s0;
	s0 =	simm.s32 @!p1 $0x0  }
0x14: {  	s2 =	sld [smem:$0x3F96];
	s0 =	simm.s32 @p1 $0x1  }
0x15: {  	[smem:$0x3FB3] =	sst s0;
	s0 =	simm.s32 @!p2 $0x0  }
0x16: {  	s3 =	sld [smem:$0x3FDB];
	s0 =	simm.s32 @p2 $0x1  }
0x17: {  	s4 =	simm.s32 $0x1BF5;
	[smem:$0x3FB5] =	sst s0  }
0x18: {  	s0 =	sld [smem:$0x3F98];
	_ =	swait.ge [sflag:s4], $0x0  }
0x19: {  	s7 =	sld [smem:$0x3F99]  }
0x1a: {  	s8 =	sadd.s32 $0xFFFFE003, lr  }
0x1b: {  	s9 =	sadd.s32 $0xFFFFFEF7, lr;
	s5 =	simm.s32 $0xFFFFFFFF;
	p2 =	slt.u32 s8, $0xFFFFF086  }
0x1c: {  	p1 =	slt.u32 s9, $0xF7A;
	s5 =	simm.s32 @!p2 $0x0  }
0x1d: {  	s5 =	simm.s32 @p1 $0x1;
	p0 =	seq.s32 s7, s2  }
0x1e: {  	s7 =	smul.u32 @!p0 $0xF7A, s2;
	p2 =	seq.s32 @!p0 s5, $0x0  }
0x1f: {  	s9 =	smul.u32 $0xF7A, s1;
	s8 =	simm.s32 @!p0 $0x1BF5;
	p2 =	por !p2, p0  }
0x20: {  	[sflag:s8] =	ssyncset.s32 @!p0 $0xFFFFF086;
	s6 =	sadd.s32 @!p0 s3, s7;
	s7 =	simm.s32 @!p0 $0x108  }
0x21: {  	s3 =	sadd.s32 s3, s9;
	s6 =	sadd.s32 @!p0 $0x88, s6;
	s7 =	simm.s32 @p2 $0x1082  }
0x22: {  	[simem:s7], [sflag:s8] =	dma.local @!p0 [hbm:s6], $0xF7A  }
0x23: {  	s9 =	sor.u32 $0xD0000000, s2;
	s6 =	simm.s32 $0x108;
	_ =	swait.ge @!p0 [sflag:s8], $0x0  }
0x24: {  	s3 =	sadd.s32 $0x88, s3;
	s6 =	simm.s32 @!p1 $0x1082;
	[sflag:s4] =	ssyncset.s32 $0xFFFFF086  }
0x25: {  	[simem:s6], [sflag:s4] =	dma.local [hbm:s3], $0xF7A  }
0x26: {  	[smem:$0x3F99] =	sst s1;
	(tag) =	ssettag s2;
	_ =	strace s9  }
0x27: {  	s1 =	sld [smem:$0x3FA9]  }
0x28: {  	s2 =	sld [smem:$0x3FAA]  }
0x29: {  	s4 =	sld [smem:$0x3FAC]  }
0x2a: {  	p0 =	seq.s32 s5, $0x0;
	s5 =	sld [smem:$0x3FAD]  }
0x2b: {  	s6 =	sld [smem:$0x3FAE]  }
0x2c: {  	s7 =	sld [smem:$0x3FAF]  }
0x2d: {  	s3 =	simm.s32 $0x108;
	s8 =	sld [smem:$0x3FB0]  }
0x2e: {  	s3 =	simm.s32 @!p0 $0x1082;
	s9 =	sld [smem:$0x3FB1]  }
0x2f: {  	lr =	sadd.s32 s0, s3;
	s0 =	sld [smem:$0x3FA8]  }
0x30: {  	s3 =	sld [smem:$0x3FAB]  }
0x31: {  	[smem:$0x3FB4] =	sst s10  }
0x32: {  	s10 =	sld [smem:$0x3FB2];
	_ =	sdelay $0x3  }
0x33: {  	p0 =	seq.s32 s10, $0x1;
	s10 =	sld [smem:$0x3FB4];
	_ =	sdelay $0x3  }
0x34: {  	[smem:$0x3FB4] =	sst s10  }
0x35: {  	s10 =	sld [smem:$0x3FB3];
	_ =	sdelay $0x3  }
0x36: {  	p1 =	seq.s32 s10, $0x1;
	s10 =	sld [smem:$0x3FB4];
	_ =	sdelay $0x3  }
0x37: {  	[smem:$0x3FB4] =	sst s10  }
0x38: {  	s10 =	sld [smem:$0x3FB5]  }
0x39: {  	_ = 	snop;
	(pc) =	sbr.ind lr, $3  }
0x3a: {  	_ = 	snop  }
0x3b: {  	_ = 	snop  }
0x3c: {  	p2 =	seq.s32 s10, $0x1;
	s10 =	sld [smem:$0x3FB4]  }
0x3d: {  	_ =	shalt  }
0x3e: {  	_ =	shalt  }
0x3f: {  	_ =	shalt  }
0x40: {  	_ =	shalt  }
0x41: {  	_ =	shalt  }
0x42: {  	_ =	shalt  }
0x43: {  	_ =	shalt  }
0x44: {  	_ =	shalt  }
0x45: {  	_ =	shalt  }
0x46: {  	_ =	shalt  }
0x47: {  	_ =	shalt  }
0x48: {  	_ =	shalt  }
0x49: {  	_ =	shalt  }
0x4a: {  	_ =	shalt  }
0x4b: {  	_ =	shalt  }
0x4c: {  	_ =	shalt  }
0x4d: {  	_ =	shalt  }
0x4e: {  	_ =	shalt  }
0x4f: {  	_ =	shalt  }
0x50: {  	_ =	shalt  }
0x51: {  	_ =	shalt  }
0x52: {  	_ =	shalt  }
0x53: {  	_ =	shalt  }
0x54: {  	_ =	shalt  }
0x55: {  	_ =	shalt  }
0x56: {  	_ =	shalt  }
0x57: {  	_ =	shalt  }
0x58: {  	_ =	shalt  }
0x59: {  	_ =	shalt  }
0x5a: {  	_ =	shalt  }
0x5b: {  	_ =	shalt  }
0x5c: {  	_ =	shalt  }
0x5d: {  	_ =	shalt  }
0x5e: {  	_ =	shalt  }
0x5f: {  	_ =	shalt  }
0x60: {  	_ =	shalt  }
0x61: {  	_ =	shalt  }
0x62: {  	_ =	shalt  }
0x63: {  	_ =	shalt  }
0x64: {  	_ =	shalt  }
0x65: {  	_ =	shalt  }
0x66: {  	_ =	shalt  }
0x67: {  	_ =	shalt  }
0x68: {  	_ =	shalt  }
0x69: {  	_ =	shalt  }
0x6a: {  	_ =	shalt  }
0x6b: {  	_ =	shalt  }
0x6c: {  	_ =	shalt  }
0x6d: {  	_ =	shalt  }
0x6e: {  	_ =	shalt  }
0x6f: {  	_ =	shalt  }
0x70: {  	_ =	shalt  }
0x71: {  	_ =	shalt  }
0x72: {  	_ =	shalt  }
0x73: {  	_ =	shalt  }
0x74: {  	_ =	shalt  }
0x75: {  	_ =	shalt  }
0x76: {  	_ =	shalt  }
0x77: {  	_ =	shalt  }
0x78: {  	_ =	shalt  }
0x79: {  	_ =	shalt  }
0x7a: {  	_ =	shalt  }
0x7b: {  	_ =	shalt  }
0x7c: {  	_ =	shalt  }
0x7d: {  	_ =	shalt  }
0x7e: {  	_ =	shalt  }
0x7f: {  	_ =	shalt  }
0x80: {  	_ =	shalt  }
0x81: {  	_ =	shalt  }
0x82: {  	_ =	shalt  }
0x83: {  	_ =	shalt  }
0x84: {  	_ =	shalt  }
0x85: {  	_ =	shalt  }
0x86: {  	_ =	shalt  }
0x87: {  	_ =	shalt  }
.Lfunc_end0:
.L_simem_size_0:
called_computation.2_lowered:
.L_overlay_start_0:
0x88: {  	s2 =	sld [smem:$0x3FD9]  }
0x89: {  	s3 =	sld [smem:$0x3FFE];
	_ =	sdelay $0x1  }
0x8a: {  	s1 =	srdreg.scid  }
0x8b: {  	s0 =	sand.u32 $0x1, s1  }
0x8c: {  	s17 =	sshll.u32 s0, $0xA;
	s2 =	sadd.s32 s3, s2  }
0x8d: {  	s2 =	sadd.s32 s2, s17  }
0x8e: {  	[smem:$0x3FC0] =	sst s2  }
0x8f: {  	_ = 	snop  }
0x90: {  	s2 =	sld [smem:$0x3FD0];
	(tm) =	ssettm $0x1  }
0x91: {  	s18 =	sld [smem:$0x3FFB];
	_ =	sdelay $0x3  }
0x92: {  	_ =	strace s18  }
0x93: {  	s3 =	sld [smem:$0x3FFC];
	_ =	sdelay $0x3  }
0x94: {  	_ =	strace s3  }
0x95: {  	s3 =	sld [smem:$0x3FFD];
	_ =	sdelay $0x3  }
0x96: {  	_ =	strace s3  }
0x97: {  	_ =	strace $0x8FFFFFFF  }
0x98: {  	s19 =	sld [smem:$0x3FDB];
	_ =	sdelay $0x1  }
0x99: {  	s4 =	simm.s32 $_scs_section_size  }
0x9a: {  	s5 =	simm.s32 $_size__tile_overlayer_lowered;
	s6 =	simm.s32 $_tile_overlayer_lowered  }
0x9b: {  	s22 =	simm.s32 $0x1BFF;
	s21 =	sshll.u32 s6, $0x1;
	s3 =	sadd.s32 s4, s19  }
0x9c: {  	s7 =	simm.s32 $0x0;
	s20 =	sshll.u32 s5, $0x1;
	s5 =	sadd.s32 s21, s3  }
0x9d: {  	[timem:s7], [sflag:s22] =	dma.local [hbm:s5], s20  }
0x9e: {  	_ =	swait.ge [sflag:s22], s20  }
0x9f: {  	s4 =	ssub.s32 $0x0, s20;
	[sflag:s22] =	ssyncset.done $0x0  }
0xa0: {  	[sflag:s22] =	ssyncadd.s32 s4;
	_ =	sdelay $0x1  }
0xa1: {  	s23 =	simm.s32 $0x1B8B  }
0xa2: {  	_ =	swait.ge [sflag:s23], $0x1  }
0xa3: {  	[sflag:s23] =	ssyncset.done $0x0  }
0xa4: {  	s25 =	simm.s32 $0x1B8E;
	s24 =	sld [smem:$0x3FFE];
	[sflag:s23] =	ssyncadd.s32 $0xFFFFFFFF  }
0xa5: {  	s26 =	simm.s32 $execute0_lowered;
	[smem:$0x3FD2] =	sst s25  }
0xa6: {  	s5 =	sshll.u32 s26, $0x1;
	_ =	strace $0x8000004C;
	[dreg:$0x1] =	wrdreg $0xFFFFFFFF  }
0xa7: {  	s28 =	simm.s32 $_size_execute0_lowered;
	s3 =	sadd.s32 s3, s5;
	[dreg:$0x0] =	wrdreg $0x0  }
0xa8: {  	s5 =	sshll.u32 s28, $0x1;
	[dreg:$0x2] =	wrdreg s3  }
0xa9: {  	[dreg:$0x3] =	wrdreg s5  }
0xaa: {  	[dreg:$0x4] =	wrdreg $0xC0  }
0xab: {  	_ =	task [dreg:s7], $0x5FFFF  }
0xac: {  	[dreg:$0x1] =	wrdreg $0xFFFFFFFF  }
0xad: {  	[dreg:$0x0] =	wrdreg $0x60  }
0xae: {  	[dreg:$0x2] =	wrdreg s24  }
0xaf: {  	[dreg:$0x3] =	wrdreg s2  }
0xb0: {  	[dreg:$0x4] =	wrdreg $0xEC400  }
0xb1: {  	[dreg:$0x5] =	wrdreg $0x9  }
0xb2: {  	_ =	task.clear_ibuf [dreg:s7], $0x6FFFF;
	_ =	strace $0x9000004C  }
0xb3: {  	s29 =	simm.s32 $0x9;
	_ =	strace $0x8000004E  }
0xb4: {  	_ =	swait.ge [sflag:s29], $0x1  }
0xb5: {  	[sflag:s29] =	ssyncadd.s32 $0xFFFFFFFF  }
0xb6: {  	_ =	strace $0x9000004E  }
0xb7: {  	_ =	sfence  }
0xb8: {  	s30 =	sld [smem:$0x0];
	_ =	sdelay $0x2  }
0xb9: {  	s31 =	sshll.u32 s1, $0xD;
	s1 =	sshrl.u32 s1, $0x2  }
0xba: {  	s3 =	sand.u32 $0x4000, s31;
	s1 =	sadd.s32 s1, s30  }
0xbb: {  	s0 =	sor.u32 s3, s0;
	s1 =	sshll.u32 s1, $0x11  }
0xbc: {  	s0 =	sor.u32 s1, s0  }
0xbd: {  	s0 =	sadd.s32 $0x8F2B, s0  }
0xbe: {  	[sflag:s0] =	ssyncadd.remote.s32 $0x1  }
0xbf: {  	_ =	sfence.sel $0xFFFF  }
0xc0: {  	[dreg:$0x0] =	wrdreg $0xFFFFFFFF;
	(pc) =	sbr.abs _section_cstart, $3  }
0xc1: {  	[dreg:$0x1] =	wrdreg $0xFFFFFFFF  }
0xc2: {  	_ =	task.clear_ibuf [dreg:s7], $0x2FFFF;
	_ =	strace $0x9FFFFFFF  }
0xc3: {  	(tm) =	ssettm $0x7FFFFFFF  }
tec
execute0_lowered:
.L_overlay_start_1:
0x0: {  	(tag) =	ssettag $0x1  }
0x1: {  	s0 =	srdreg.scid;
	s1 =	rddreg [dreg:$0x0]  }
0x2: {  	s8 =	stileid.u32;
	s3 =	rddreg [dreg:$0x2]  }
0x3: {  	s4 =	simm.s32 $0x0;
	s15 =	simm.s32 $0x9;
	s17 =	simm.s32 $0xCD00  }
0x4: {  	s18 =	simm.s32 $0x7D;
	s19 =	simm.s32 $0x5000;
	s21 =	simm.s32 $0x6F40  }
0x5: {  	s23 =	simm.s32 $0x8E80;
	s25 =	simm.s32 $0xADC0;
	s28 =	simm.s32 $0x2  }
0x6: {  	s29 =	simm.s32 $0x3;
	s30 =	simm.s32 $0x4;
	s31 =	simm.s32 $0x5  }
0x7: {  	s20 =	simm.s32 $0x0;
	s0 =	sand.u32 $0x1, s0;
	[smem:$0x7FF] =	sst s4  }
0x8: {  	s7 =	smul.u32 $0x13880, s8;
	s5 =	sadd.s32 $0x16C00, s1;
	s2 =	sshll.u32 s0, $0x4  }
0x9: {  	s6 =	smul.u32 $0x138800, s0;
	_ =	strace $0x8000004D;
	s0 =	ssub.s32 $0x2, s0  }
0xa: {  	s2 =	sor.u32 s8, s2;
	s8 =	smul.u32 $0x27100, s8;
	s26 =	sshrl.u32 s0, $0x1  }
0xb: {  	s2 =	smul.u32 $0x2800, s2;
	s6 =	sadd.s32 s7, s6;
	s0 =	ssub.s32 s0, s26  }
0xc: {  	s26 =	simm.s32 $0x1;
	s6 =	sshrl.u32 s6, $0x3;
	s8 =	sshrl.u32 s8, $0x2  }
0xd: {  	s14 =	smax.u32 s0, $0x1;
	s0 =	simm.s32 $0x8;
	s2 =	sshrl.u32 s2, $0x3  }
0xe: {  	s2 =	sadd.s32 s2, s1;
	s1 =	sadd.s32 s6, s1;
	s6 =	sadd.s32 s8, s3  }
0xf: {  	s7 =	sadd.s32 $0x2C00, s2;
	s8 =	sadd.s32 $0xCC00, s2;
	s9 =	sadd.s32 $0x1F40, s6  }
0x10: {  	s10 =	sadd.s32 $0x3E80, s6;
	s11 =	sadd.s32 $0x5DC0, s6;
	s12 =	sadd.s32 $0x7D00, s6  }
0x11: {  	s13 =	sadd.s32 $0x3DE00, s1;
	s1 =	simm.s32 $0x6;
	s2 =	simm.s32 $0x7  }
.LBB2_1:
0x12: {  	[tilespmem:s4], [sflag:$0x9] =	stream.linear.gather [hbm4b:s7+s4], $0x2800, $0x38;
	[tilespmem:$0x18880] =	vst v63  }
0x13: {  	_ =	swait.ge [sflag:s15], $0x2800  }
0x14: {  	[sflag:s15] =	ssyncset.done $0x0  }
0x15: {  	s16 =	simm.s32 $0x2800;
	[sflag:s15] =	ssyncadd.s32 $0xFFFFD800  }
0x16: {  	[tilespmem:s16], [sflag:$0x9] =	stream.linear.gather [hbm4b:s8+s4], $0x2800, $0x38;
	[tilespmem:$0x18880] =	vst v63  }
0x17: {  	_ =	swait.ge [sflag:s15], $0x2800  }
0x18: {  	[sflag:s15] =	ssyncset.done $0x0  }
0x19: {  	[sflag:s15] =	ssyncadd.s32 $0xFFFFD800  }
0x1a: {  	s22 =	rddreg [dreg:$0x1]  }
0x1b: {  	[tilespmem:s17], [sflag:$0x9] =	stream.linear.gather [hbm4b:s22+s4], $0x1F40, $0x38;
	[tilespmem:$0x18880] =	vst v63  }
0x1c: {  	_ =	swait.ge [sflag:s15], $0x1F40  }
0x1d: {  	[sflag:s15] =	ssyncset.done $0x0  }
0x1e: {  	[sflag:s15] =	ssyncadd.s32 $0xFFFFE0C0  }
0x1f: {  	[spmem:s6] =	stream.linear.scatter [tilespmem:s17], [sflag:$0x9], $0x1F40, $0x38;
	[tilespmem:$0x18880] =	vst v63  }
0x20: {  	_ =	swait.ge [sflag:s15], $0x1F40  }
0x21: {  	[sflag:s15] =	ssyncset.done $0x0  }
0x22: {  	[sflag:s15] =	ssyncadd.s32 $0xFFFFE0C0  }
0x23: {  	[spmem:s9] =	stream.linear.scatter [tilespmem:s17], [sflag:$0x9], $0x1F40, $0x38;
	[tilespmem:$0x18880] =	vst v63  }
0x24: {  	_ =	swait.ge [sflag:s15], $0x1F40  }
0x25: {  	[sflag:s15] =	ssyncset.done $0x0  }
0x26: {  	[sflag:s15] =	ssyncadd.s32 $0xFFFFE0C0  }
0x27: {  	[spmem:s10] =	stream.linear.scatter [tilespmem:s17], [sflag:$0x9], $0x1F40, $0x38;
	[tilespmem:$0x18880] =	vst v63  }
0x28: {  	_ =	swait.ge [sflag:s15], $0x1F40  }
0x29: {  	[sflag:s15] =	ssyncset.done $0x0  }
0x2a: {  	[sflag:s15] =	ssyncadd.s32 $0xFFFFE0C0  }
0x2b: {  	[spmem:s11] =	stream.linear.scatter [tilespmem:s17], [sflag:$0x9], $0x1F40, $0x38;
	[tilespmem:$0x18880] =	vst v63  }
0x2c: {  	_ =	swait.ge [sflag:s15], $0x1F40  }
0x2d: {  	[sflag:s15] =	ssyncset.done $0x0  }
0x2e: {  	[sflag:s15] =	ssyncadd.s32 $0xFFFFE0C0  }
0x2f: {  	[spmem:s12] =	stream.linear.scatter [tilespmem:s17], [sflag:$0x9], $0x1F40, $0x38;
	[tilespmem:$0x18880] =	vst v63  }
0x30: {  	_ =	swait.ge [sflag:s15], $0x1F40  }
0x31: {  	[sflag:s15] =	ssyncset.done $0x0  }
0x32: {  	[sflag:s15] =	ssyncadd.s32 $0xFFFFE0C0  }
0x33: {  	[bflag:$0x0] =	sbarrier.arrive $0xFFFF  }
0x34: {  	[tilespmem:s19], [sflag:$0x1] =	stream.indirect.gather [hbm4b:s5+s18], $0x40, s4, s18, $0xb8;
	[tilespmem:$0x18880] =	vst v63  }
0x35: {  	s24 =	simm.s32 $0x80  }
0x36: {  	[tilespmem:s21], [sflag:$0x2] =	stream.indirect.gather [hbm4b:s5+s18], $0x40, s24, s18, $0xb8;
	[tilespmem:$0x18880] =	vst v63  }
0x37: {  	s22 =	simm.s32 $0x100  }
0x38: {  	[tilespmem:s23], [sflag:$0x3] =	stream.indirect.gather [hbm4b:s5+s18], $0x40, s22, s18, $0xb8;
	[tilespmem:$0x18880] =	vst v63  }
0x39: {  	s24 =	simm.s32 $0x180  }
0x3a: {  	[tilespmem:s25], [sflag:$0x4] =	stream.indirect.gather [hbm4b:s5+s18], $0x40, s24, s18, $0xb8;
	[tilespmem:$0x18880] =	vst v63  }
0x3b: {  	_ =	swait.ge [sflag:s26], $0x1F40  }
0x3c: {  	[sflag:s26] =	ssyncset.done $0x0  }
0x3d: {  	s22 =	simm.s32 $0x2800;
	[sflag:s26] =	ssyncadd.s32 $0xFFFFE0C0  }
0x3e: {  	[spmem:s3] =	stream.indirect.scatter.add.f32 [tilespmem:s19], [sflag:$0x5], $0x40, s22, s18, $0xb8;
	[tilespmem:$0x18880] =	vst v63  }
0x3f: {  	_ =	swait.ge [sflag:s28], $0x1F40  }
0x40: {  	[sflag:s28] =	ssyncset.done $0x0  }
0x41: {  	s16 =	simm.s32 $0x2880;
	[sflag:s28] =	ssyncadd.s32 $0xFFFFE0C0  }
0x42: {  	[spmem:s3] =	stream.indirect.scatter.add.f32 [tilespmem:s21], [sflag:$0x6], $0x40, s16, s18, $0xb8;
	[tilespmem:$0x18880] =	vst v63  }
0x43: {  	_ =	swait.ge [sflag:s29], $0x1F40  }
0x44: {  	[sflag:s29] =	ssyncset.done $0x0  }
0x45: {  	s24 =	simm.s32 $0x2900;
	[sflag:s29] =	ssyncadd.s32 $0xFFFFE0C0  }
0x46: {  	[spmem:s3] =	stream.indirect.scatter.add.f32 [tilespmem:s23], [sflag:$0x7], $0x40, s24, s18, $0xb8;
	[tilespmem:$0x18880] =	vst v63  }
0x47: {  	_ =	swait.ge [sflag:s30], $0x1F40  }
0x48: {  	[sflag:s30] =	ssyncset.done $0x0  }
0x49: {  	s16 =	simm.s32 $0x2980;
	[sflag:s30] =	ssyncadd.s32 $0xFFFFE0C0  }
0x4a: {  	[spmem:s3] =	stream.indirect.scatter.add.f32 [tilespmem:s25], [sflag:$0x8], $0x40, s16, s18, $0xb8;
	[tilespmem:$0x18880] =	vst v63  }
0x4b: {  	_ =	swait.ge [sflag:s31], $0x1F40  }
0x4c: {  	[sflag:s31] =	ssyncset.done $0x0  }
0x4d: {  	s24 =	simm.s32 $0x200;
	[sflag:s31] =	ssyncadd.s32 $0xFFFFE0C0  }
0x4e: {  	[tilespmem:s19], [sflag:$0x1] =	stream.indirect.gather [hbm4b:s5+s18], $0x40, s24, s18, $0xb8;
	[tilespmem:$0x18880] =	vst v63  }
0x4f: {  	_ =	swait.ge [sflag:s1], $0x1F40  }
0x50: {  	[sflag:s1] =	ssyncset.done $0x0  }
0x51: {  	s16 =	simm.s32 $0x280;
	[sflag:s1] =	ssyncadd.s32 $0xFFFFE0C0  }
0x52: {  	[tilespmem:s21], [sflag:$0x2] =	stream.indirect.gather [hbm4b:s5+s18], $0x40, s16, s18, $0xb8;
	[tilespmem:$0x18880] =	vst v63  }
0x53: {  	_ =	swait.ge [sflag:s2], $0x1F40  }
0x54: {  	[sflag:s2] =	ssyncset.done $0x0  }
0x55: {  	s24 =	simm.s32 $0x300;
	[sflag:s2] =	ssyncadd.s32 $0xFFFFE0C0  }
0x56: {  	[tilespmem:s23], [sflag:$0x3] =	stream.indirect.gather [hbm4b:s5+s18], $0x40, s24, s18, $0xb8;
	[tilespmem:$0x18880] =	vst v63  }
0x57: {  	_ =	swait.ge [sflag:s0], $0x1F40  }
0x58: {  	[sflag:s0] =	ssyncset.done $0x0  }
0x59: {  	s22 =	simm.s32 $0x800;
	s24 =	simm.s32 $0x380;
	[sflag:s0] =	ssyncadd.s32 $0xFFFFE0C0  }
.LBB2_2:
0x5a: {  	[tilespmem:s25], [sflag:$0x4] =	stream.indirect.gather [hbm4b:s5+s18], $0x40, s24, s18, $0xb8;
	[tilespmem:$0x18880] =	vst v63  }
0x5b: {  	s24 =	smov.u32 s22  }
0x5c: {  	p0 =	sne.s32 s22, $0x9000;
	s22 =	sadd.s32 $0x800, s22;
	_ =	swait.ge [sflag:s26], $0x1F40  }
0x5d: {  	s24 =	sshra.s32 s24, $0x2;
	[sflag:s26] =	ssyncset.done $0x0  }
0x5e: {  	s16 =	sadd.s32 $0x2800, s24;
	[sflag:s26] =	ssyncadd.s32 $0xFFFFE0C0  }
0x5f: {  	[spmem:s3] =	stream.indirect.scatter.add.f32 [tilespmem:s19], [sflag:$0x5], $0x40, s16, s18, $0xb8;
	[tilespmem:$0x18880] =	vst v63  }
0x60: {  	_ =	swait.ge [sflag:s28], $0x1F40  }
0x61: {  	[sflag:s28] =	ssyncset.done $0x0  }
0x62: {  	s16 =	sadd.s32 $0x2880, s24;
	[sflag:s28] =	ssyncadd.s32 $0xFFFFE0C0  }
0x63: {  	[spmem:s3] =	stream.indirect.scatter.add.f32 [tilespmem:s21], [sflag:$0x6], $0x40, s16, s18, $0xb8;
	[tilespmem:$0x18880] =	vst v63  }
0x64: {  	_ =	swait.ge [sflag:s29], $0x1F40  }
0x65: {  	[sflag:s29] =	ssyncset.done $0x0  }
0x66: {  	s16 =	sadd.s32 $0x2900, s24;
	[sflag:s29] =	ssyncadd.s32 $0xFFFFE0C0  }
0x67: {  	[spmem:s3] =	stream.indirect.scatter.add.f32 [tilespmem:s23], [sflag:$0x7], $0x40, s16, s18, $0xb8;
	[tilespmem:$0x18880] =	vst v63  }
0x68: {  	_ =	swait.ge [sflag:s30], $0x1F40  }
0x69: {  	[sflag:s30] =	ssyncset.done $0x0  }
0x6a: {  	s16 =	sadd.s32 $0x2980, s24;
	[sflag:s30] =	ssyncadd.s32 $0xFFFFE0C0  }
0x6b: {  	[spmem:s3] =	stream.indirect.scatter.add.f32 [tilespmem:s25], [sflag:$0x8], $0x40, s16, s18, $0xb8;
	[tilespmem:$0x18880] =	vst v63  }
0x6c: {  	_ =	swait.ge [sflag:s31], $0x1F40  }
0x6d: {  	[sflag:s31] =	ssyncset.done $0x0  }
0x6e: {  	s16 =	sadd.s32 $0x200, s24;
	[sflag:s31] =	ssyncadd.s32 $0xFFFFE0C0  }
0x6f: {  	[tilespmem:s19], [sflag:$0x1] =	stream.indirect.gather [hbm4b:s5+s18], $0x40, s16, s18, $0xb8;
	[tilespmem:$0x18880] =	vst v63  }
0x70: {  	_ =	swait.ge [sflag:s1], $0x1F40  }
0x71: {  	[sflag:s1] =	ssyncset.done $0x0  }
0x72: {  	s16 =	sadd.s32 $0x280, s24;
	[sflag:s1] =	ssyncadd.s32 $0xFFFFE0C0  }
0x73: {  	[tilespmem:s21], [sflag:$0x2] =	stream.indirect.gather [hbm4b:s5+s18], $0x40, s16, s18, $0xb8;
	[tilespmem:$0x18880] =	vst v63  }
0x74: {  	_ =	swait.ge [sflag:s2], $0x1F40  }
0x75: {  	[sflag:s2] =	ssyncset.done $0x0  }
.Ltmp0:
0x76: {  	s16 =	sadd.s32 $0x300, s24;
	[sflag:s2] =	ssyncadd.s32 $0xFFFFE0C0;
	(pc) =	sbr.rel @p0 .LBB2_2-.Ltmp0, $4  }
0x77: {  	[tilespmem:s23], [sflag:$0x3] =	stream.indirect.gather [hbm4b:s5+s18], $0x40, s16, s18, $0xb8;
	[tilespmem:$0x18880] =	vst v63  }
0x78: {  	_ =	swait.ge [sflag:s0], $0x1F40  }
0x79: {  	[sflag:s0] =	ssyncset.done $0x0  }
0x7a: {  	s24 =	sadd.s32 $0x380, s24;
	[sflag:s0] =	ssyncadd.s32 $0xFFFFE0C0  }
0x7b: {  	[tilespmem:s25], [sflag:$0x4] =	stream.indirect.gather [hbm4b:s5+s18], $0x40, s24, s18, $0xb8;
	[tilespmem:$0x18880] =	vst v63  }
0x7c: {  	_ =	swait.ge [sflag:s26], $0x1F40  }
0x7d: {  	[sflag:s26] =	ssyncset.done $0x0  }
0x7e: {  	s16 =	simm.s32 $0x4E00;
	[sflag:s26] =	ssyncadd.s32 $0xFFFFE0C0  }
0x7f: {  	[spmem:s3] =	stream.indirect.scatter.add.f32 [tilespmem:s19], [sflag:$0x5], $0x40, s16, s18, $0xb8;
	[tilespmem:$0x18880] =	vst v63  }
0x80: {  	_ =	swait.ge [sflag:s28], $0x1F40  }
0x81: {  	[sflag:s28] =	ssyncset.done $0x0  }
0x82: {  	s22 =	simm.s32 $0x4E80;
	[sflag:s28] =	ssyncadd.s32 $0xFFFFE0C0  }
0x83: {  	[spmem:s3] =	stream.indirect.scatter.add.f32 [tilespmem:s21], [sflag:$0x6], $0x40, s22, s18, $0xb8;
	[tilespmem:$0x18880] =	vst v63  }
0x84: {  	_ =	swait.ge [sflag:s29], $0x1F40  }
0x85: {  	[sflag:s29] =	ssyncset.done $0x0  }
0x86: {  	s24 =	simm.s32 $0x4F00;
	[sflag:s29] =	ssyncadd.s32 $0xFFFFE0C0  }
0x87: {  	[spmem:s3] =	stream.indirect.scatter.add.f32 [tilespmem:s23], [sflag:$0x7], $0x40, s24, s18, $0xb8;
	[tilespmem:$0x18880] =	vst v63  }
0x88: {  	_ =	swait.ge [sflag:s30], $0x1F40  }
0x89: {  	[sflag:s30] =	ssyncset.done $0x0  }
0x8a: {  	s22 =	simm.s32 $0x4F80;
	[sflag:s30] =	ssyncadd.s32 $0xFFFFE0C0  }
0x8b: {  	[spmem:s3] =	stream.indirect.scatter.add.f32 [tilespmem:s25], [sflag:$0x8], $0x40, s22, s18, $0xb8;
	[tilespmem:$0x18880] =	vst v63  }
0x8c: {  	_ =	swait.ge [sflag:s31], $0x1F40  }
0x8d: {  	[sflag:s31] =	ssyncset.done $0x0  }
0x8e: {  	[sflag:s31] =	ssyncadd.s32 $0xFFFFE0C0  }
0x8f: {  	_ =	swait.ge [sflag:s1], $0x1F40  }
0x90: {  	[sflag:s1] =	ssyncset.done $0x0  }
0x91: {  	[sflag:s1] =	ssyncadd.s32 $0xFFFFE0C0  }
0x92: {  	_ =	swait.ge [sflag:s2], $0x1F40  }
0x93: {  	[sflag:s2] =	ssyncset.done $0x0  }
0x94: {  	[sflag:s2] =	ssyncadd.s32 $0xFFFFE0C0  }
0x95: {  	s20 =	sadd.s32 $0x1, s20;
	s24 =	stileid.u32;
	_ =	swait.ge [sflag:s0], $0x1F40  }
0x96: {  	p0 =	sne.s32 s20, s14;
	s16 =	sshll.u32 s24, $0x6;
	[sflag:s0] =	ssyncset.done $0x0  }
0x97: {  	s24 =	simm.s32 $0x10;
	s16 =	sor.u32 $0x1C09, s16;
	[sflag:s0] =	ssyncadd.s32 $0xFFFFE0C0  }
.Ltmp1:
0x98: {  	s22 =	sshrl.u32 s6, $0x3;
	[bflag:$0x0] =	sbarrier.arrive $0xFFFF;
	(pc) =	sbr.rel @p0 .LBB2_1-.Ltmp1, $4  }
0x99: {  	[hbm:s13@s24], [sflag:s16] =	dma.strided [spmem:s22@s0], $0x1388, s26, $0x8   }
0x9a: {  	_ =	swait.ge [sflag:s15], $0x1388  }
0x9b: {  	[sflag:s15] =	ssyncset.done $0x0  }
0x9c: {  	[sflag:s15] =	ssyncadd.s32 $0xFFFFEC78  }
0x9d: {  	_ =	sfence.sel $0x180000  }
0x9e: {  	[bflag:$0x0] =	sbarrier.arrive $0xFFFF  }
0x9f: {  	_ =	strace $0x9000004D  }
0xa0: {  	s0 =	stileid.u32;
	[bflag:$0x2] =	sbarrier.arrive $0xFFFF  }
0xa1: {  	p0 =	sne.s32 s0, $0x0;
	s0 =	rddreg [dreg:$0x3]  }
0xa2: {  	s0 =	sadd.s32 @!p0 $0x100000, s0  }
0xa3: {  	[sflag:s0] =	ssyncadd.tile.s32 @!p0 $0x1;
	_ =	shalt  }
.Lfunc_end2:
_tile_overlayer_lowered:
.L_overlay_start_2:
0xa4: {  	(tag) =	ssettag $0x2  }
0xa5: {  	s0 =	rddreg [dreg:$0x0];
	s2 =	stileid.u32  }
0xa6: {  	s1 =	rddreg [dreg:$0x1];
	p0 =	sne.s32 s2, $0x0  }
0xa7: {  	s3 =	rddreg [dreg:$0x2];
	[bflag:$0x3] =	sbarrier.arrive $0xFFFF;
	s2 =	simm.s32 @!p0 $0x1C09  }
0xa8: {  	[timem:s3], [sflag:s2] =	dma.local @!p0 [hbm:s0], s1  }
0xa9: {  	s0 =	simm.s32 @!p0 $0x9  }
0xaa: {  	_ =	swait.ge @!p0 [sflag:s0], s1  }
0xab: {  	s1 =	ssub.s32 @!p0 $0x0, s1;
	[sflag:s0] =	ssyncset.done @!p0 $0x0  }
0xac: {  	[sflag:s0] =	ssyncadd.s32 @!p0 s1  }
0xad: {  	[bflag:$0x3] =	sbarrier.arrive $0xFFFF  }
0xae: {  	_ =	shalt  }

// kernel: kernel.8.cloned.1.call-start
scs
__scs_entry_jumppad:
0x0: {  	(pc) =	sbr.rel $0x88, $3  }
0x1: {  	(tag) =	ssettag $0x0;
	lr =	simm.s32 $0x1  }
0x2: {  	[smem:$0x3F99] =	sst lr;
	_ =	strace $0xD0000000  }
0x3: {  	_ = 	snop  }
0x4: {  	_ = 	snop  }
0x5: {  	_ = 	snop  }
0x6: {  	_ = 	snop  }
0x7: {  	_ = 	snop  }
__scs_overlays_trampoline_lowered:
0x8: {  	[smem:$0x3FA8] =	sst s0  }
0x9: {  	[smem:$0x3FA9] =	sst s1  }
0xa: {  	[smem:$0x3FAA] =	sst s2  }
0xb: {  	[smem:$0x3FAB] =	sst s3  }
0xc: {  	[smem:$0x3FAC] =	sst s4  }
0xd: {  	[smem:$0x3FAD] =	sst s5  }
0xe: {  	[smem:$0x3FAE] =	sst s6  }
0xf: {  	[smem:$0x3FAF] =	sst s7  }
0x10: {  	[smem:$0x3FB0] =	sst s8  }
0x11: {  	[smem:$0x3FB1] =	sst s9;
	s0 =	simm.s32 @!p0 $0x0  }
0x12: {  	s1 =	sld [smem:$0x3F97];
	s0 =	simm.s32 @p0 $0x1  }
0x13: {  	[smem:$0x3FB2] =	sst s0;
	s0 =	simm.s32 @!p1 $0x0  }
0x14: {  	s2 =	sld [smem:$0x3F96];
	s0 =	simm.s32 @p1 $0x1  }
0x15: {  	[smem:$0x3FB3] =	sst s0;
	s0 =	simm.s32 @!p2 $0x0  }
0x16: {  	s3 =	sld [smem:$0x3FDB];
	s0 =	simm.s32 @p2 $0x1  }
0x17: {  	s4 =	simm.s32 $0x1BF5;
	[smem:$0x3FB5] =	sst s0  }
0x18: {  	s0 =	sld [smem:$0x3F98];
	_ =	swait.ge [sflag:s4], $0x0  }
0x19: {  	s7 =	sld [smem:$0x3F99]  }
0x1a: {  	s8 =	sadd.s32 $0xFFFFE003, lr  }
0x1b: {  	s9 =	sadd.s32 $0xFFFFFEF7, lr;
	s5 =	simm.s32 $0xFFFFFFFF;
	p2 =	slt.u32 s8, $0xFFFFF086  }
0x1c: {  	p1 =	slt.u32 s9, $0xF7A;
	s5 =	simm.s32 @!p2 $0x0  }
0x1d: {  	s5 =	simm.s32 @p1 $0x1;
	p0 =	seq.s32 s7, s2  }
0x1e: {  	s7 =	smul.u32 @!p0 $0xF7A, s2;
	p2 =	seq.s32 @!p0 s5, $0x0  }
0x1f: {  	s9 =	smul.u32 $0xF7A, s1;
	s8 =	simm.s32 @!p0 $0x1BF5;
	p2 =	por !p2, p0  }
0x20: {  	[sflag:s8] =	ssyncset.s32 @!p0 $0xFFFFF086;
	s6 =	sadd.s32 @!p0 s3, s7;
	s7 =	simm.s32 @!p0 $0x108  }
0x21: {  	s3 =	sadd.s32 s3, s9;
	s6 =	sadd.s32 @!p0 $0x88, s6;
	s7 =	simm.s32 @p2 $0x1082  }
0x22: {  	[simem:s7], [sflag:s8] =	dma.local @!p0 [hbm:s6], $0xF7A  }
0x23: {  	s9 =	sor.u32 $0xD0000000, s2;
	s6 =	simm.s32 $0x108;
	_ =	swait.ge @!p0 [sflag:s8], $0x0  }
0x24: {  	s3 =	sadd.s32 $0x88, s3;
	s6 =	simm.s32 @!p1 $0x1082;
	[sflag:s4] =	ssyncset.s32 $0xFFFFF086  }
0x25: {  	[simem:s6], [sflag:s4] =	dma.local [hbm:s3], $0xF7A  }
0x26: {  	[smem:$0x3F99] =	sst s1;
	(tag) =	ssettag s2;
	_ =	strace s9  }
0x27: {  	s1 =	sld [smem:$0x3FA9]  }
0x28: {  	s2 =	sld [smem:$0x3FAA]  }
0x29: {  	s4 =	sld [smem:$0x3FAC]  }
0x2a: {  	p0 =	seq.s32 s5, $0x0;
	s5 =	sld [smem:$0x3FAD]  }
0x2b: {  	s6 =	sld [smem:$0x3FAE]  }
0x2c: {  	s7 =	sld [smem:$0x3FAF]  }
0x2d: {  	s3 =	simm.s32 $0x108;
	s8 =	sld [smem:$0x3FB0]  }
0x2e: {  	s3 =	simm.s32 @!p0 $0x1082;
	s9 =	sld [smem:$0x3FB1]  }
0x2f: {  	lr =	sadd.s32 s0, s3;
	s0 =	sld [smem:$0x3FA8]  }
0x30: {  	s3 =	sld [smem:$0x3FAB]  }
0x31: {  	[smem:$0x3FB4] =	sst s10  }
0x32: {  	s10 =	sld [smem:$0x3FB2];
	_ =	sdelay $0x3  }
0x33: {  	p0 =	seq.s32 s10, $0x1;
	s10 =	sld [smem:$0x3FB4];
	_ =	sdelay $0x3  }
0x34: {  	[smem:$0x3FB4] =	sst s10  }
0x35: {  	s10 =	sld [smem:$0x3FB3];
	_ =	sdelay $0x3  }
0x36: {  	p1 =	seq.s32 s10, $0x1;
	s10 =	sld [smem:$0x3FB4];
	_ =	sdelay $0x3  }
0x37: {  	[smem:$0x3FB4] =	sst s10  }
0x38: {  	s10 =	sld [smem:$0x3FB5]  }
0x39: {  	_ = 	snop;
	(pc) =	sbr.ind lr, $3  }
0x3a: {  	_ = 	snop  }
0x3b: {  	_ = 	snop  }
0x3c: {  	p2 =	seq.s32 s10, $0x1;
	s10 =	sld [smem:$0x3FB4]  }
0x3d: {  	_ =	shalt  }
0x3e: {  	_ =	shalt  }
0x3f: {  	_ =	shalt  }
0x40: {  	_ =	shalt  }
0x41: {  	_ =	shalt  }
0x42: {  	_ =	shalt  }
0x43: {  	_ =	shalt  }
0x44: {  	_ =	shalt  }
0x45: {  	_ =	shalt  }
0x46: {  	_ =	shalt  }
0x47: {  	_ =	shalt  }
0x48: {  	_ =	shalt  }
0x49: {  	_ =	shalt  }
0x4a: {  	_ =	shalt  }
0x4b: {  	_ =	shalt  }
0x4c: {  	_ =	shalt  }
0x4d: {  	_ =	shalt  }
0x4e: {  	_ =	shalt  }
0x4f: {  	_ =	shalt  }
0x50: {  	_ =	shalt  }
0x51: {  	_ =	shalt  }
0x52: {  	_ =	shalt  }
0x53: {  	_ =	shalt  }
0x54: {  	_ =	shalt  }
0x55: {  	_ =	shalt  }
0x56: {  	_ =	shalt  }
0x57: {  	_ =	shalt  }
0x58: {  	_ =	shalt  }
0x59: {  	_ =	shalt  }
0x5a: {  	_ =	shalt  }
0x5b: {  	_ =	shalt  }
0x5c: {  	_ =	shalt  }
0x5d: {  	_ =	shalt  }
0x5e: {  	_ =	shalt  }
0x5f: {  	_ =	shalt  }
0x60: {  	_ =	shalt  }
0x61: {  	_ =	shalt  }
0x62: {  	_ =	shalt  }
0x63: {  	_ =	shalt  }
0x64: {  	_ =	shalt  }
0x65: {  	_ =	shalt  }
0x66: {  	_ =	shalt  }
0x67: {  	_ =	shalt  }
0x68: {  	_ =	shalt  }
0x69: {  	_ =	shalt  }
0x6a: {  	_ =	shalt  }
0x6b: {  	_ =	shalt  }
0x6c: {  	_ =	shalt  }
0x6d: {  	_ =	shalt  }
0x6e: {  	_ =	shalt  }
0x6f: {  	_ =	shalt  }
0x70: {  	_ =	shalt  }
0x71: {  	_ =	shalt  }
0x72: {  	_ =	shalt  }
0x73: {  	_ =	shalt  }
0x74: {  	_ =	shalt  }
0x75: {  	_ =	shalt  }
0x76: {  	_ =	shalt  }
0x77: {  	_ =	shalt  }
0x78: {  	_ =	shalt  }
0x79: {  	_ =	shalt  }
0x7a: {  	_ =	shalt  }
0x7b: {  	_ =	shalt  }
0x7c: {  	_ =	shalt  }
0x7d: {  	_ =	shalt  }
0x7e: {  	_ =	shalt  }
0x7f: {  	_ =	shalt  }
0x80: {  	_ =	shalt  }
0x81: {  	_ =	shalt  }
0x82: {  	_ =	shalt  }
0x83: {  	_ =	shalt  }
0x84: {  	_ =	shalt  }
0x85: {  	_ =	shalt  }
0x86: {  	_ =	shalt  }
0x87: {  	_ =	shalt  }
.Lfunc_end0:
.L_simem_size_0:
called_computation_lowered:
.L_overlay_start_0:
0x88: {  	s2 =	sld [smem:$0x3FD9]  }
0x89: {  	s3 =	sld [smem:$0x3FFE];
	_ =	sdelay $0x1  }
0x8a: {  	s1 =	srdreg.scid  }
0x8b: {  	s0 =	sand.u32 $0x1, s1  }
0x8c: {  	s17 =	sshll.u32 s0, $0xA;
	s2 =	sadd.s32 s3, s2  }
0x8d: {  	s2 =	sadd.s32 s2, s17  }
0x8e: {  	[smem:$0x3FC0] =	sst s2  }
0x8f: {  	_ = 	snop  }
0x90: {  	s2 =	sld [smem:$0x3FD0];
	(tm) =	ssettm $0x1  }
0x91: {  	s18 =	sld [smem:$0x3FFB];
	_ =	sdelay $0x3  }
0x92: {  	_ =	strace s18  }
0x93: {  	s3 =	sld [smem:$0x3FFC];
	_ =	sdelay $0x3  }
0x94: {  	_ =	strace s3  }
0x95: {  	s3 =	sld [smem:$0x3FFD];
	_ =	sdelay $0x3  }
0x96: {  	_ =	strace s3  }
0x97: {  	_ =	strace $0x8FFFFFFF  }
0x98: {  	s19 =	sld [smem:$0x3FDB];
	_ =	sdelay $0x1  }
0x99: {  	s4 =	simm.s32 $_scs_section_size  }
0x9a: {  	s5 =	simm.s32 $_size__tile_overlayer_lowered;
	s6 =	simm.s32 $_tile_overlayer_lowered  }
0x9b: {  	s22 =	simm.s32 $0x1BFF;
	s21 =	sshll.u32 s6, $0x1;
	s3 =	sadd.s32 s4, s19  }
0x9c: {  	s7 =	simm.s32 $0x0;
	s20 =	sshll.u32 s5, $0x1;
	s5 =	sadd.s32 s21, s3  }
0x9d: {  	[timem:s7], [sflag:s22] =	dma.local [hbm:s5], s20  }
0x9e: {  	_ =	swait.ge [sflag:s22], s20  }
0x9f: {  	s4 =	ssub.s32 $0x0, s20;
	[sflag:s22] =	ssyncset.done $0x0  }
0xa0: {  	[sflag:s22] =	ssyncadd.s32 s4;
	_ =	sdelay $0x1  }
0xa1: {  	s23 =	simm.s32 $0x1B8B  }
0xa2: {  	_ =	swait.ge [sflag:s23], $0x1  }
0xa3: {  	[sflag:s23] =	ssyncset.done $0x0  }
0xa4: {  	s25 =	simm.s32 $0x1B8E;
	s24 =	sld [smem:$0x3FFE];
	[sflag:s23] =	ssyncadd.s32 $0xFFFFFFFF  }
0xa5: {  	s26 =	simm.s32 $execute0_lowered;
	[smem:$0x3FD2] =	sst s25  }
0xa6: {  	s5 =	sshll.u32 s26, $0x1;
	_ =	strace $0x80000046;
	[dreg:$0x1] =	wrdreg $0xFFFFFFFF  }
0xa7: {  	s28 =	simm.s32 $_size_execute0_lowered;
	s3 =	sadd.s32 s3, s5;
	[dreg:$0x0] =	wrdreg $0x0  }
0xa8: {  	s5 =	sshll.u32 s28, $0x1;
	[dreg:$0x2] =	wrdreg s3  }
0xa9: {  	[dreg:$0x3] =	wrdreg s5  }
0xaa: {  	[dreg:$0x4] =	wrdreg $0xC0  }
0xab: {  	_ =	task [dreg:s7], $0x5FFFF  }
0xac: {  	[dreg:$0x1] =	wrdreg $0xFFFFFFFF  }
0xad: {  	[dreg:$0x0] =	wrdreg $0x60  }
0xae: {  	[dreg:$0x2] =	wrdreg s24  }
0xaf: {  	[dreg:$0x3] =	wrdreg s2  }
0xb0: {  	[dreg:$0x4] =	wrdreg $0x56E00  }
0xb1: {  	[dreg:$0x5] =	wrdreg $0x9  }
0xb2: {  	_ =	task.clear_ibuf [dreg:s7], $0x6FFFF;
	_ =	strace $0x90000046  }
0xb3: {  	s29 =	simm.s32 $0x9;
	_ =	strace $0x80000048  }
0xb4: {  	_ =	swait.ge [sflag:s29], $0x1  }
0xb5: {  	[sflag:s29] =	ssyncadd.s32 $0xFFFFFFFF  }
0xb6: {  	_ =	strace $0x90000048  }
0xb7: {  	_ =	sfence  }
0xb8: {  	s30 =	sld [smem:$0x0];
	_ =	sdelay $0x2  }
0xb9: {  	s31 =	sshll.u32 s1, $0xD;
	s1 =	sshrl.u32 s1, $0x2  }
0xba: {  	s3 =	sand.u32 $0x4000, s31;
	s1 =	sadd.s32 s1, s30  }
0xbb: {  	s0 =	sor.u32 s3, s0;
	s1 =	sshll.u32 s1, $0x11  }
0xbc: {  	s0 =	sor.u32 s1, s0  }
0xbd: {  	s0 =	sadd.s32 $0x8F2B, s0  }
0xbe: {  	[sflag:s0] =	ssyncadd.remote.s32 $0x1  }
0xbf: {  	_ =	sfence.sel $0xFFFF  }
0xc0: {  	[dreg:$0x0] =	wrdreg $0xFFFFFFFF;
	(pc) =	sbr.abs _section_cstart, $3  }
0xc1: {  	[dreg:$0x1] =	wrdreg $0xFFFFFFFF  }
0xc2: {  	_ =	task.clear_ibuf [dreg:s7], $0x2FFFF;
	_ =	strace $0x9FFFFFFF  }
0xc3: {  	(tm) =	ssettm $0x7FFFFFFF  }
tec
execute0_lowered:
.L_overlay_start_1:
0x0: {  	(tag) =	ssettag $0x1  }
0x1: {  	s6 =	rddreg [dreg:$0x0]  }
0x2: {  	s1 =	rddreg [dreg:$0x1]  }
0x3: {  	s3 =	rddreg [dreg:$0x2];
	s2 =	srdreg.scid  }
0x4: {  	s0 =	rddreg [dreg:$0x3];
	s4 =	simm.s32 $0x0;
	s12 =	simm.s32 $0x2FD0  }
0x5: {  	s13 =	simm.s32 $0x7D;
	s16 =	simm.s32 $0x10;
	s7 =	sand.u32 $0x1, s2  }
0x6: {  	s17 =	simm.s32 $0x2;
	s2 =	stileid.u32;
	s5 =	smul.u32 $0x138800, s7  }
0x7: {  	s18 =	simm.s32 $0x0;
	[smem:$0x7FF] =	sst s4;
	s8 =	smul.u32 $0x13880, s2  }
0x8: {  	s9 =	sshll.u32 s7, $0x4;
	_ =	strace $0x80000047;
	s10 =	smul.u32 $0x9C40, s2  }
0x9: {  	s7 =	ssub.s32 $0x2, s7;
	s14 =	sshll.u32 s2, $0x6;
	s9 =	sor.u32 s2, s9  }
0xa: {  	s11 =	sshrl.u32 s7, $0x1;
	s14 =	sor.u32 $0x1C01, s14;
	s8 =	sadd.s32 s8, s5  }
0xb: {  	s9 =	smul.u32 $0x2800, s9;
	s5 =	sadd.s32 $0x16C00, s6;
	s30 =	sshrl.u32 s10, $0x2  }
0xc: {  	s31 =	ssub.s32 s7, s11;
	s10 =	simm.s32 $0x1;
	s11 =	simm.s32 $0x2800  }
0xd: {  	s8 =	sshrl.u32 s8, $0x3;
	s7 =	sadd.s32 s30, s3;
	s9 =	sshrl.u32 s9, $0x3  }
0xe: {  	s8 =	sadd.s32 s8, s6;
	s15 =	sshrl.u32 s7, $0x3;
	s6 =	sadd.s32 s6, s9  }
0xf: {  	s8 =	sadd.s32 $0x17200, s8;
	s9 =	smax.u32 s31, $0x1;
	s6 =	sadd.s32 $0xCC00, s6  }
.LBB2_1:
0x10: {  	[tilespmem:s4], [sflag:$0x1] =	stream.linear.gather [hbm4b:s6+s4], $0x2800, $0x38;
	[tilespmem:$0x7DF0] =	vst v63  }
0x11: {  	_ =	swait.ge [sflag:s10], $0x2800  }
0x12: {  	[sflag:s10] =	ssyncset.done $0x0  }
0x13: {  	[sflag:s10] =	ssyncadd.s32 $0xFFFFD800  }
0x14: {  	[tilespmem:s11], [sflag:$0x1] =	stream.linear.gather [hbm4b:s1+s4], $0x7D0, $0x38;
	[tilespmem:$0x7DF0] =	vst v63  }
0x15: {  	_ =	swait.ge [sflag:s10], $0x7D0  }
0x16: {  	[sflag:s10] =	ssyncset.done $0x0  }
0x17: {  	[sflag:s10] =	ssyncadd.s32 $0xFFFFF830  }
0x18: {  	[tilespmem:s12], [sflag:$0x1] =	stream.linear.gather [hbm4b:s5+s4], $0x2710, $0x38;
	[tilespmem:$0x7DF0] =	vst v63  }
0x19: {  	_ =	swait.ge [sflag:s10], $0x2710  }
0x1a: {  	[sflag:s10] =	ssyncset.done $0x0  }
0x1b: {  	[sflag:s10] =	ssyncadd.s32 $0xFFFFD8F0  }
0x1c: {  	[spmem:s7] =	stream.linear.scatter [tilespmem:s12], [sflag:$0x1], $0x2710, $0x38;
	[tilespmem:$0x7DF0] =	vst v63  }
0x1d: {  	_ =	swait.ge [sflag:s10], $0x2710  }
0x1e: {  	[sflag:s10] =	ssyncset.done $0x0  }
0x1f: {  	[sflag:s10] =	ssyncadd.s32 $0xFFFFD8F0  }
0x20: {  	s19 =	simm.s32 $0x0;
	[bflag:$0x0] =	sbarrier.arrive $0xFFFF  }
0x21: {  	[spmem:s3] =	stream.indirect.scatter.add.f32 [tilespmem:s11], [sflag:$0x1], $0x10, s19, s13, $0xb8;
	[tilespmem:$0x7DF0] =	vst v63  }
0x22: {  	_ =	swait.ge [sflag:s10], $0x7D0  }
0x23: {  	s19 =	simm.s32 $0x200;
	[sflag:s10] =	ssyncset.done $0x0  }
.LBB2_2:
0x24: {  	s20 =	sshra.s32 s19, $0x2;
	[sflag:s10] =	ssyncadd.s32 $0xFFFFF830;
	p0 =	sne.s32 s19, $0x9E00  }
0x25: {  	[spmem:s3] =	stream.indirect.scatter.add.f32 [tilespmem:s11], [sflag:$0x1], $0x10, s20, s13, $0xb8;
	[tilespmem:$0x7DF0] =	vst v63  }
.Ltmp0:
0x26: {  	_ = 	snop;
	(pc) =	sbr.rel @p0 .LBB2_2-.Ltmp0, $4  }
0x27: {  	_ = 	snop  }
0x28: {  	s19 =	sadd.s32 $0x200, s19  }
0x29: {  	_ =	swait.ge [sflag:s10], $0x7D0  }
0x2a: {  	[sflag:s10] =	ssyncset.done $0x0  }
0x2b: {  	s18 =	sadd.s32 $0x1, s18  }
0x2c: {  	[sflag:s10] =	ssyncadd.s32 $0xFFFFF830;
	p0 =	sne.s32 s18, s9  }
.Ltmp1:
0x2d: {  	[bflag:$0x0] =	sbarrier.arrive $0xFFFF;
	(pc) =	sbr.rel @p0 .LBB2_1-.Ltmp1, $4  }
0x2e: {  	[hbm:s8@s16], [sflag:s14] =	dma.strided [spmem:s15@s17], $0x4E2, s10, $0x2   }
0x2f: {  	_ =	swait.ge [sflag:s10], $0x4E2  }
0x30: {  	[sflag:s10] =	ssyncset.done $0x0  }
0x31: {  	[sflag:s10] =	ssyncadd.s32 $0xFFFFFB1E  }
0x32: {  	_ =	sfence.sel $0x180000  }
0x33: {  	[bflag:$0x0] =	sbarrier.arrive $0xFFFF  }
0x34: {  	p0 =	sne.s32 s2, $0x0;
	_ =	strace $0x90000047  }
0x35: {  	s0 =	sadd.s32 @!p0 $0x100000, s0;
	[bflag:$0x2] =	sbarrier.arrive $0xFFFF  }
0x36: {  	[sflag:s0] =	ssyncadd.tile.s32 @!p0 $0x1;
	_ =	shalt  }
.Lfunc_end2:
_tile_overlayer_lowered:
.L_overlay_start_2:
0x37: {  	(tag) =	ssettag $0x2  }
0x38: {  	s0 =	rddreg [dreg:$0x0];
	s2 =	stileid.u32  }
0x39: {  	s1 =	rddreg [dreg:$0x1];
	p0 =	sne.s32 s2, $0x0  }
0x3a: {  	s3 =	rddreg [dreg:$0x2];
	[bflag:$0x3] =	sbarrier.arrive $0xFFFF;
	s2 =	simm.s32 @!p0 $0x1C01  }
0x3b: {  	[timem:s3], [sflag:s2] =	dma.local @!p0 [hbm:s0], s1  }
0x3c: {  	s0 =	simm.s32 @!p0 $0x1  }
0x3d: {  	_ =	swait.ge @!p0 [sflag:s0], s1  }
0x3e: {  	s1 =	ssub.s32 @!p0 $0x0, s1;
	[sflag:s0] =	ssyncset.done @!p0 $0x0  }
0x3f: {  	[sflag:s0] =	ssyncadd.s32 @!p0 s1  }
0x40: {  	[bflag:$0x3] =	sbarrier.arrive $0xFFFF  }
0x41: {  	_ =	shalt  }

</sc_bundles>
